<compile_context>
chip_gen: v7x
topology: tpu7x:2x2x1
jax: 0.10.2.dev20260603
libtpu: 0.0.44.dev20260713+nightly
codegen_flags: <defaults>
</compile_context>

<pallas_src>
import functools

import jax
import jax.numpy as jnp
from jax import lax
from jax.experimental import pallas as pl
from jax.experimental.pallas import tpu as pltpu
from jax.experimental.pallas import tpu_sc as plsc

_VOCAB = 1000000
_EMB = 64
_BATCH = 4096
_SEQ = 200
_OUT = 16

_NC = 2
_NS = 16
_NW = _NC * _NS
_BPW = _BATCH // _NW

_CHUNKS = ((0, 128), (128, 72))
_NBUF = 4


def _gather_pool_body(x_hbm, table_hbm, out_hbm, idx_v, rows_v, acc_v, sems):
  wid = lax.axis_index("s") * _NC + lax.axis_index("c")
  base = pl.multiple_of(wid * _BPW, _BPW)

  pltpu.sync_copy(x_hbm.at[pl.ds(base, _BPW)], idx_v)

  def issue(s, b):
    for (o, n) in _CHUNKS:
      pltpu.async_copy(
          table_hbm.at[idx_v.at[s, pl.ds(o, n)]],
          rows_v.at[b, pl.ds(o, n)], sems.at[b])

  def wait(b):
    pltpu.make_async_copy(
        table_hbm.at[pl.ds(0, _SEQ)], rows_v.at[b], sems.at[b]).wait()

  for b in range(_NBUF):
    issue(b, b)

  def do_group(g, _):
    for b in range(_NBUF):
      s = g * _NBUF + b
      wait(b)

      def rb(i, accs):
        a = list(accs)
        for j in range(8):
          r = i * 8 + j
          for c in range(4):
            a[c] = a[c] + rows_v[b, r, pl.ds(c * 16, 16)]
        return tuple(a)

      zero = jnp.zeros((16,), jnp.float32)
      accs = lax.fori_loop(0, _SEQ // 8, rb, (zero, zero, zero, zero))
      for c in range(4):
        acc_v[s, pl.ds(c * 16, 16)] = accs[c]

      @pl.when(s + _NBUF < _BPW)
      def _():
        issue(s + _NBUF, b)
    return 0

  lax.fori_loop(0, _BPW // _NBUF, do_group, 0)

  pltpu.sync_copy(acc_v, out_hbm.at[pl.ds(base, _BPW)])


_gather_pool = functools.partial(
    pl.kernel,
    out_type=jax.ShapeDtypeStruct((_BATCH, _EMB), jnp.float32),
    mesh=plsc.VectorSubcoreMesh(core_axis_name="c", subcore_axis_name="s"),
    compiler_params=pltpu.CompilerParams(use_tc_tiling_on_sc=False),
    scratch_types=[
        pltpu.VMEM((_BPW, _SEQ), jnp.int32),
        pltpu.VMEM((_NBUF, _SEQ, _EMB), jnp.float32),
        pltpu.VMEM((_BPW, _EMB), jnp.float32),
        pltpu.SemaphoreType.DMA((_NBUF,)),
    ],
)(_gather_pool_body)


def _mlp_body(rep_ref, len_ref, fcwt_ref, fcb_ref, clfwt_ref, clfb_ref,
              out_ref):
  r = rep_ref[...] / len_ref[...]
  h = jnp.maximum(
      jnp.dot(r, fcwt_ref[...], preferred_element_type=jnp.float32)
      + fcb_ref[...], 0.0)
  out_ref[...] = (
      jnp.dot(h, clfwt_ref[...], preferred_element_type=jnp.float32)
      + clfb_ref[...])


def _mlp(rep, len_f, fcwt, fcb2, clfwt, clfb2):
  return pl.pallas_call(
      _mlp_body,
      out_shape=jax.ShapeDtypeStruct((_BATCH, _OUT), jnp.float32),
  )(rep, len_f, fcwt, fcb2, clfwt, clfb2)


def kernel(x, lengths, table, fc_w, fc_b, clf_w, clf_b):
  reps = _gather_pool(x, table)
  len_f = lengths.astype(jnp.float32).reshape(_BATCH, 1)
  return _mlp(reps, len_f, fc_w.T, fc_b.reshape(1, _OUT), clf_w.T,
              clf_b.reshape(1, _OUT))

# --- scband reference (transcript-rebuilt; emitter-appended) ---
"""Pipeline reference for scband-baseline-dnn-41248865910917 (READ-ONLY COPY).

The authoritative reference and input builder live on the scoring server;
editing this copy changes nothing except your own understanding.
"""

import jax, jax.numpy as jnp
import numpy as np

VOCAB = 1000000
EMB_DIM = 64
BATCH = 4096
SEQ = 200
OUT = 16

def setup_inputs(seed: int = 0) -> dict:
    key = jax.random.key(seed)
    k1, k2, k3, k4, k5, k6 = jax.random.split(key, 6)
    x = jax.random.randint(k1, (BATCH, SEQ), 0, VOCAB, dtype=jnp.int32)
    # lengths in [1, SEQ] to avoid division by zero (mirrors real padded batches)
    lengths = jax.random.randint(k2, (BATCH,), 1, SEQ + 1, dtype=jnp.int32)
    table = jax.random.normal(k3, (VOCAB, EMB_DIM), dtype=jnp.float32) * 0.02
    fc_w = jax.random.normal(k4, (16, EMB_DIM), dtype=jnp.float32) * 0.05
    fc_b = jnp.zeros((16,), dtype=jnp.float32)
    clf_w = jax.random.normal(k5, (OUT, 16), dtype=jnp.float32) * 0.05
    clf_b = jnp.zeros((OUT,), dtype=jnp.float32)
    return {"x": x, "lengths": lengths, "table": table, "fc_w": fc_w,
            "fc_b": fc_b, "clf_w": clf_w, "clf_b": clf_b}

def reference(x, lengths, table, fc_w, fc_b, clf_w, clf_b):
    # embedding lookup (gather)
    embeddings = jnp.take(table, x, axis=0)            # [B, L, D]
    representations = jnp.sum(embeddings, axis=1)      # [B, D]
    # per-sample division by sequence length (the python loop in torch
    # is equivalent to a broadcasted divide)
    representations = representations / lengths[:, None].astype(representations.dtype)
    h = jax.nn.relu(representations @ fc_w.T + fc_b)   # [B, 16]
    logits = h @ clf_w.T + clf_b                       # [B, OUT]
    return logits

if __name__ == "__main__":
    import jax
    _d = setup_inputs()
    print(jax.jit(kernel)(*tuple(_d.values())))

</pallas_src>

<mosaic_0001>
#map = affine_map<(d0, d1) -> (0, 0)>
module attributes {stable_mosaic.version = 14 : i64} {
  func.func @_gather_pool_body(%arg0: i32, %arg1: i32, %arg2: memref<4096x200xi32, #tpu.memory_space<hbm>>, %arg3: memref<1000000x64xf32, #tpu.memory_space<hbm>>, %arg4: memref<4096x64xf32, #tpu.memory_space<hbm>>, %arg5: memref<128x200xi32, #tpu.memory_space<vmem>>, %arg6: memref<4x200x64xf32, #tpu.memory_space<vmem>>, %arg7: memref<128x64xf32, #tpu.memory_space<vmem>>, %arg8: memref<4x!tpu.dma_semaphore, #tpu.memory_space<semaphore_mem>>) attributes {dimension_semantics = [#tpu.dimension_semantics<core_parallel>, #tpu.dimension_semantics<subcore_parallel>], iteration_bounds = array<i64: 2, 16>, scalar_prefetch = 0 : i64, scratch_operands = 4 : i64, tpu.core_type = #tpu.core_type<sc_vector_subcore>, window_params = [{transform_indices = #map}, {transform_indices = #map}, {transform_indices = #map}]} {
    %mul3A = arith.constant 2 : i32
    %mul3A_0 = arith.muli %arg1, %mul3A : i32
    %add3A = arith.addi %mul3A_0, %arg0 : i32
    %mul3A_1 = arith.constant 128 : i32
    %mul3A_2 = arith.muli %add3A, %mul3A_1 : i32
    %multiple_of3A = tpu.assume_multiple %mul3A_2, 128 : i32
    "tpu.region"() ({
      %run_scoped3A = tpu.sem_alloc : memref<!tpu.dma_semaphore, #tpu.memory_space<semaphore_mem>>
      %dma_start3A_128 = arith.constant 0 : i32
      %dma_start3A_129 = tpu.memref_slice %arg2[%multiple_of3A, %dma_start3A_128] : memref<4096x200xi32, #tpu.memory_space<hbm>> -> memref<128x200xi32, #tpu.memory_space<hbm>>
      %dma_start3A_130 = arith.constant 0 : i32
      %dma_start3A_131 = tpu.memref_slice %arg2[%multiple_of3A, %dma_start3A_130] : memref<4096x200xi32, #tpu.memory_space<hbm>> -> memref<128x200xi32, #tpu.memory_space<hbm>>
      tpu.enqueue_dma source(%dma_start3A_131 : memref<128x200xi32, #tpu.memory_space<hbm>>) target(%arg5 : memref<128x200xi32, #tpu.memory_space<vmem>>) target_semaphore(%run_scoped3A : memref<!tpu.dma_semaphore, #tpu.memory_space<semaphore_mem>>)
      %dma_wait3A = arith.constant 0 : i32
      %dma_wait3A_132 = tpu.memref_slice %arg2[%multiple_of3A, %dma_wait3A] : memref<4096x200xi32, #tpu.memory_space<hbm>> -> memref<128x200xi32, #tpu.memory_space<hbm>>
      %dma_wait3A_133 = arith.constant 0 : i32
      %dma_wait3A_134 = tpu.memref_slice %arg2[%multiple_of3A, %dma_wait3A_133] : memref<4096x200xi32, #tpu.memory_space<hbm>> -> memref<128x200xi32, #tpu.memory_space<hbm>>
      tpu.wait_dma2 semaphore(%run_scoped3A : memref<!tpu.dma_semaphore, #tpu.memory_space<semaphore_mem>>) src(%dma_wait3A_134 : memref<128x200xi32, #tpu.memory_space<hbm>>) dst(%arg5 : memref<128x200xi32, #tpu.memory_space<vmem>>)
      tpu.yield
    }) : () -> ()
    %dma_start3A = arith.constant 0 : i32
    %dma_start3A_3 = arith.constant 0 : i32
    %dma_start3A_4 = arith.constant 0 : i32
    %dma_start3A_5 = arith.constant 0 : i32
    %dma_start3A_6 = arith.constant 0 : i32
    %dma_start3A_7 = tpu.memref_slice %arg6[%dma_start3A_3, %dma_start3A_5, %dma_start3A_6] : memref<4x200x64xf32, #tpu.memory_space<vmem>> -> memref<1x128x64xf32, #tpu.memory_space<vmem>>
    %dma_start3A_8 = tpu.memref_squeeze %dma_start3A_7 : memref<1x128x64xf32, #tpu.memory_space<vmem>> -> memref<128x64xf32, #tpu.memory_space<vmem>>
    %dma_start3A_9 = arith.constant 0 : i32
    %dma_start3A_10 = tpu.memref_slice %arg5[%dma_start3A, %dma_start3A_9] : memref<128x200xi32, #tpu.memory_space<vmem>> -> memref<1x128xi32, #tpu.memory_space<vmem>>
    %dma_start3A_11 = tpu.memref_squeeze %dma_start3A_10 : memref<1x128xi32, #tpu.memory_space<vmem>> -> memref<128xi32, #tpu.memory_space<vmem>>
    %dma_start3A_12 = arith.constant 0 : i32
    %dma_start3A_13 = arith.constant 0 : i32
    %dma_start3A_14 = tpu.memref_slice %arg3[%dma_start3A_12, %dma_start3A_13] : memref<1000000x64xf32, #tpu.memory_space<hbm>> -> memref<1000000x64xf32, #tpu.memory_space<hbm>>
    %dma_start3A_15 = tpu.memref_slice %arg8[%dma_start3A_4] : memref<4x!tpu.dma_semaphore, #tpu.memory_space<semaphore_mem>> -> memref<1x!tpu.dma_semaphore, #tpu.memory_space<semaphore_mem>>
    %dma_start3A_16 = tpu.memref_squeeze %dma_start3A_15 : memref<1x!tpu.dma_semaphore, #tpu.memory_space<semaphore_mem>> -> memref<!tpu.dma_semaphore, #tpu.memory_space<semaphore_mem>>
    tpu.enqueue_indirect_dma source(%dma_start3A_14 : memref<1000000x64xf32, #tpu.memory_space<hbm>>) target(%dma_start3A_8 : memref<128x64xf32, #tpu.memory_space<vmem>>) offsets(%dma_start3A_11 : memref<128xi32, #tpu.memory_space<vmem>>) semaphore(%dma_start3A_16 : memref<!tpu.dma_semaphore, #tpu.memory_space<semaphore_mem>>)
    %dma_start3A_17 = arith.constant 0 : i32
    %dma_start3A_18 = arith.constant 0 : i32
    %dma_start3A_19 = arith.constant 0 : i32
    %dma_start3A_20 = arith.constant 128 : i32
    %dma_start3A_21 = arith.constant 0 : i32
    %dma_start3A_22 = tpu.memref_slice %arg6[%dma_start3A_18, %dma_start3A_20, %dma_start3A_21] : memref<4x200x64xf32, #tpu.memory_space<vmem>> -> memref<1x72x64xf32, #tpu.memory_space<vmem>>
    %dma_start3A_23 = tpu.memref_squeeze %dma_start3A_22 : memref<1x72x64xf32, #tpu.memory_space<vmem>> -> memref<72x64xf32, #tpu.memory_space<vmem>>
    %dma_start3A_24 = arith.constant 128 : i32
    %dma_start3A_25 = tpu.memref_slice %arg5[%dma_start3A_17, %dma_start3A_24] : memref<128x200xi32, #tpu.memory_space<vmem>> -> memref<1x72xi32, #tpu.memory_space<vmem>>
    %dma_start3A_26 = tpu.memref_squeeze %dma_start3A_25 : memref<1x72xi32, #tpu.memory_space<vmem>> -> memref<72xi32, #tpu.memory_space<vmem>>
    %dma_start3A_27 = arith.constant 0 : i32
    %dma_start3A_28 = arith.constant 0 : i32
    %dma_start3A_29 = tpu.memref_slice %arg3[%dma_start3A_27, %dma_start3A_28] : memref<1000000x64xf32, #tpu.memory_space<hbm>> -> memref<1000000x64xf32, #tpu.memory_space<hbm>>
    %dma_start3A_30 = tpu.memref_slice %arg8[%dma_start3A_19] : memref<4x!tpu.dma_semaphore, #tpu.memory_space<semaphore_mem>> -> memref<1x!tpu.dma_semaphore, #tpu.memory_space<semaphore_mem>>
    %dma_start3A_31 = tpu.memref_squeeze %dma_start3A_30 : memref<1x!tpu.dma_semaphore, #tpu.memory_space<semaphore_mem>> -> memref<!tpu.dma_semaphore, #tpu.memory_space<semaphore_mem>>
    tpu.enqueue_indirect_dma source(%dma_start3A_29 : memref<1000000x64xf32, #tpu.memory_space<hbm>>) target(%dma_start3A_23 : memref<72x64xf32, #tpu.memory_space<vmem>>) offsets(%dma_start3A_26 : memref<72xi32, #tpu.memory_space<vmem>>) semaphore(%dma_start3A_31 : memref<!tpu.dma_semaphore, #tpu.memory_space<semaphore_mem>>)
    %dma_start3A_32 = arith.constant 1 : i32
    %dma_start3A_33 = arith.constant 1 : i32
    %dma_start3A_34 = arith.constant 1 : i32
    %dma_start3A_35 = arith.constant 0 : i32
    %dma_start3A_36 = arith.constant 0 : i32
    %dma_start3A_37 = tpu.memref_slice %arg6[%dma_start3A_33, %dma_start3A_35, %dma_start3A_36] : memref<4x200x64xf32, #tpu.memory_space<vmem>> -> memref<1x128x64xf32, #tpu.memory_space<vmem>>
    %dma_start3A_38 = tpu.memref_squeeze %dma_start3A_37 : memref<1x128x64xf32, #tpu.memory_space<vmem>> -> memref<128x64xf32, #tpu.memory_space<vmem>>
    %dma_start3A_39 = arith.constant 0 : i32
    %dma_start3A_40 = tpu.memref_slice %arg5[%dma_start3A_32, %dma_start3A_39] : memref<128x200xi32, #tpu.memory_space<vmem>> -> memref<1x128xi32, #tpu.memory_space<vmem>>
    %dma_start3A_41 = tpu.memref_squeeze %dma_start3A_40 : memref<1x128xi32, #tpu.memory_space<vmem>> -> memref<128xi32, #tpu.memory_space<vmem>>
    %dma_start3A_42 = arith.constant 0 : i32
    %dma_start3A_43 = arith.constant 0 : i32
    %dma_start3A_44 = tpu.memref_slice %arg3[%dma_start3A_42, %dma_start3A_43] : memref<1000000x64xf32, #tpu.memory_space<hbm>> -> memref<1000000x64xf32, #tpu.memory_space<hbm>>
    %dma_start3A_45 = tpu.memref_slice %arg8[%dma_start3A_34] : memref<4x!tpu.dma_semaphore, #tpu.memory_space<semaphore_mem>> -> memref<1x!tpu.dma_semaphore, #tpu.memory_space<semaphore_mem>>
    %dma_start3A_46 = tpu.memref_squeeze %dma_start3A_45 : memref<1x!tpu.dma_semaphore, #tpu.memory_space<semaphore_mem>> -> memref<!tpu.dma_semaphore, #tpu.memory_space<semaphore_mem>>
    tpu.enqueue_indirect_dma source(%dma_start3A_44 : memref<1000000x64xf32, #tpu.memory_space<hbm>>) target(%dma_start3A_38 : memref<128x64xf32, #tpu.memory_space<vmem>>) offsets(%dma_start3A_41 : memref<128xi32, #tpu.memory_space<vmem>>) semaphore(%dma_start3A_46 : memref<!tpu.dma_semaphore, #tpu.memory_space<semaphore_mem>>)
    %dma_start3A_47 = arith.constant 1 : i32
    %dma_start3A_48 = arith.constant 1 : i32
    %dma_start3A_49 = arith.constant 1 : i32
    %dma_start3A_50 = arith.constant 128 : i32
    %dma_start3A_51 = arith.constant 0 : i32
    %dma_start3A_52 = tpu.memref_slice %arg6[%dma_start3A_48, %dma_start3A_50, %dma_start3A_51] : memref<4x200x64xf32, #tpu.memory_space<vmem>> -> memref<1x72x64xf32, #tpu.memory_space<vmem>>
    %dma_start3A_53 = tpu.memref_squeeze %dma_start3A_52 : memref<1x72x64xf32, #tpu.memory_space<vmem>> -> memref<72x64xf32, #tpu.memory_space<vmem>>
    %dma_start3A_54 = arith.constant 128 : i32
    %dma_start3A_55 = tpu.memref_slice %arg5[%dma_start3A_47, %dma_start3A_54] : memref<128x200xi32, #tpu.memory_space<vmem>> -> memref<1x72xi32, #tpu.memory_space<vmem>>
    %dma_start3A_56 = tpu.memref_squeeze %dma_start3A_55 : memref<1x72xi32, #tpu.memory_space<vmem>> -> memref<72xi32, #tpu.memory_space<vmem>>
    %dma_start3A_57 = arith.constant 0 : i32
    %dma_start3A_58 = arith.constant 0 : i32
    %dma_start3A_59 = tpu.memref_slice %arg3[%dma_start3A_57, %dma_start3A_58] : memref<1000000x64xf32, #tpu.memory_space<hbm>> -> memref<1000000x64xf32, #tpu.memory_space<hbm>>
    %dma_start3A_60 = tpu.memref_slice %arg8[%dma_start3A_49] : memref<4x!tpu.dma_semaphore, #tpu.memory_space<semaphore_mem>> -> memref<1x!tpu.dma_semaphore, #tpu.memory_space<semaphore_mem>>
    %dma_start3A_61 = tpu.memref_squeeze %dma_start3A_60 : memref<1x!tpu.dma_semaphore, #tpu.memory_space<semaphore_mem>> -> memref<!tpu.dma_semaphore, #tpu.memory_space<semaphore_mem>>
    tpu.enqueue_indirect_dma source(%dma_start3A_59 : memref<1000000x64xf32, #tpu.memory_space<hbm>>) target(%dma_start3A_53 : memref<72x64xf32, #tpu.memory_space<vmem>>) offsets(%dma_start3A_56 : memref<72xi32, #tpu.memory_space<vmem>>) semaphore(%dma_start3A_61 : memref<!tpu.dma_semaphore, #tpu.memory_space<semaphore_mem>>)
    %dma_start3A_62 = arith.constant 2 : i32
    %dma_start3A_63 = arith.constant 2 : i32
    %dma_start3A_64 = arith.constant 2 : i32
    %dma_start3A_65 = arith.constant 0 : i32
    %dma_start3A_66 = arith.constant 0 : i32
    %dma_start3A_67 = tpu.memref_slice %arg6[%dma_start3A_63, %dma_start3A_65, %dma_start3A_66] : memref<4x200x64xf32, #tpu.memory_space<vmem>> -> memref<1x128x64xf32, #tpu.memory_space<vmem>>
    %dma_start3A_68 = tpu.memref_squeeze %dma_start3A_67 : memref<1x128x64xf32, #tpu.memory_space<vmem>> -> memref<128x64xf32, #tpu.memory_space<vmem>>
    %dma_start3A_69 = arith.constant 0 : i32
    %dma_start3A_70 = tpu.memref_slice %arg5[%dma_start3A_62, %dma_start3A_69] : memref<128x200xi32, #tpu.memory_space<vmem>> -> memref<1x128xi32, #tpu.memory_space<vmem>>
    %dma_start3A_71 = tpu.memref_squeeze %dma_start3A_70 : memref<1x128xi32, #tpu.memory_space<vmem>> -> memref<128xi32, #tpu.memory_space<vmem>>
    %dma_start3A_72 = arith.constant 0 : i32
    %dma_start3A_73 = arith.constant 0 : i32
    %dma_start3A_74 = tpu.memref_slice %arg3[%dma_start3A_72, %dma_start3A_73] : memref<1000000x64xf32, #tpu.memory_space<hbm>> -> memref<1000000x64xf32, #tpu.memory_space<hbm>>
    %dma_start3A_75 = tpu.memref_slice %arg8[%dma_start3A_64] : memref<4x!tpu.dma_semaphore, #tpu.memory_space<semaphore_mem>> -> memref<1x!tpu.dma_semaphore, #tpu.memory_space<semaphore_mem>>
    %dma_start3A_76 = tpu.memref_squeeze %dma_start3A_75 : memref<1x!tpu.dma_semaphore, #tpu.memory_space<semaphore_mem>> -> memref<!tpu.dma_semaphore, #tpu.memory_space<semaphore_mem>>
    tpu.enqueue_indirect_dma source(%dma_start3A_74 : memref<1000000x64xf32, #tpu.memory_space<hbm>>) target(%dma_start3A_68 : memref<128x64xf32, #tpu.memory_space<vmem>>) offsets(%dma_start3A_71 : memref<128xi32, #tpu.memory_space<vmem>>) semaphore(%dma_start3A_76 : memref<!tpu.dma_semaphore, #tpu.memory_space<semaphore_mem>>)
    %dma_start3A_77 = arith.constant 2 : i32
    %dma_start3A_78 = arith.constant 2 : i32
    %dma_start3A_79 = arith.constant 2 : i32
    %dma_start3A_80 = arith.constant 128 : i32
    %dma_start3A_81 = arith.constant 0 : i32
    %dma_start3A_82 = tpu.memref_slice %arg6[%dma_start3A_78, %dma_start3A_80, %dma_start3A_81] : memref<4x200x64xf32, #tpu.memory_space<vmem>> -> memref<1x72x64xf32, #tpu.memory_space<vmem>>
    %dma_start3A_83 = tpu.memref_squeeze %dma_start3A_82 : memref<1x72x64xf32, #tpu.memory_space<vmem>> -> memref<72x64xf32, #tpu.memory_space<vmem>>
    %dma_start3A_84 = arith.constant 128 : i32
    %dma_start3A_85 = tpu.memref_slice %arg5[%dma_start3A_77, %dma_start3A_84] : memref<128x200xi32, #tpu.memory_space<vmem>> -> memref<1x72xi32, #tpu.memory_space<vmem>>
    %dma_start3A_86 = tpu.memref_squeeze %dma_start3A_85 : memref<1x72xi32, #tpu.memory_space<vmem>> -> memref<72xi32, #tpu.memory_space<vmem>>
    %dma_start3A_87 = arith.constant 0 : i32
    %dma_start3A_88 = arith.constant 0 : i32
    %dma_start3A_89 = tpu.memref_slice %arg3[%dma_start3A_87, %dma_start3A_88] : memref<1000000x64xf32, #tpu.memory_space<hbm>> -> memref<1000000x64xf32, #tpu.memory_space<hbm>>
    %dma_start3A_90 = tpu.memref_slice %arg8[%dma_start3A_79] : memref<4x!tpu.dma_semaphore, #tpu.memory_space<semaphore_mem>> -> memref<1x!tpu.dma_semaphore, #tpu.memory_space<semaphore_mem>>
    %dma_start3A_91 = tpu.memref_squeeze %dma_start3A_90 : memref<1x!tpu.dma_semaphore, #tpu.memory_space<semaphore_mem>> -> memref<!tpu.dma_semaphore, #tpu.memory_space<semaphore_mem>>
    tpu.enqueue_indirect_dma source(%dma_start3A_89 : memref<1000000x64xf32, #tpu.memory_space<hbm>>) target(%dma_start3A_83 : memref<72x64xf32, #tpu.memory_space<vmem>>) offsets(%dma_start3A_86 : memref<72xi32, #tpu.memory_space<vmem>>) semaphore(%dma_start3A_91 : memref<!tpu.dma_semaphore, #tpu.memory_space<semaphore_mem>>)
    %dma_start3A_92 = arith.constant 3 : i32
    %dma_start3A_93 = arith.constant 3 : i32
    %dma_start3A_94 = arith.constant 3 : i32
    %dma_start3A_95 = arith.constant 0 : i32
    %dma_start3A_96 = arith.constant 0 : i32
    %dma_start3A_97 = tpu.memref_slice %arg6[%dma_start3A_93, %dma_start3A_95, %dma_start3A_96] : memref<4x200x64xf32, #tpu.memory_space<vmem>> -> memref<1x128x64xf32, #tpu.memory_space<vmem>>
    %dma_start3A_98 = tpu.memref_squeeze %dma_start3A_97 : memref<1x128x64xf32, #tpu.memory_space<vmem>> -> memref<128x64xf32, #tpu.memory_space<vmem>>
    %dma_start3A_99 = arith.constant 0 : i32
    %dma_start3A_100 = tpu.memref_slice %arg5[%dma_start3A_92, %dma_start3A_99] : memref<128x200xi32, #tpu.memory_space<vmem>> -> memref<1x128xi32, #tpu.memory_space<vmem>>
    %dma_start3A_101 = tpu.memref_squeeze %dma_start3A_100 : memref<1x128xi32, #tpu.memory_space<vmem>> -> memref<128xi32, #tpu.memory_space<vmem>>
    %dma_start3A_102 = arith.constant 0 : i32
    %dma_start3A_103 = arith.constant 0 : i32
    %dma_start3A_104 = tpu.memref_slice %arg3[%dma_start3A_102, %dma_start3A_103] : memref<1000000x64xf32, #tpu.memory_space<hbm>> -> memref<1000000x64xf32, #tpu.memory_space<hbm>>
    %dma_start3A_105 = tpu.memref_slice %arg8[%dma_start3A_94] : memref<4x!tpu.dma_semaphore, #tpu.memory_space<semaphore_mem>> -> memref<1x!tpu.dma_semaphore, #tpu.memory_space<semaphore_mem>>
    %dma_start3A_106 = tpu.memref_squeeze %dma_start3A_105 : memref<1x!tpu.dma_semaphore, #tpu.memory_space<semaphore_mem>> -> memref<!tpu.dma_semaphore, #tpu.memory_space<semaphore_mem>>
    tpu.enqueue_indirect_dma source(%dma_start3A_104 : memref<1000000x64xf32, #tpu.memory_space<hbm>>) target(%dma_start3A_98 : memref<128x64xf32, #tpu.memory_space<vmem>>) offsets(%dma_start3A_101 : memref<128xi32, #tpu.memory_space<vmem>>) semaphore(%dma_start3A_106 : memref<!tpu.dma_semaphore, #tpu.memory_space<semaphore_mem>>)
    %dma_start3A_107 = arith.constant 3 : i32
    %dma_start3A_108 = arith.constant 3 : i32
    %dma_start3A_109 = arith.constant 3 : i32
    %dma_start3A_110 = arith.constant 128 : i32
    %dma_start3A_111 = arith.constant 0 : i32
    %dma_start3A_112 = tpu.memref_slice %arg6[%dma_start3A_108, %dma_start3A_110, %dma_start3A_111] : memref<4x200x64xf32, #tpu.memory_space<vmem>> -> memref<1x72x64xf32, #tpu.memory_space<vmem>>
    %dma_start3A_113 = tpu.memref_squeeze %dma_start3A_112 : memref<1x72x64xf32, #tpu.memory_space<vmem>> -> memref<72x64xf32, #tpu.memory_space<vmem>>
    %dma_start3A_114 = arith.constant 128 : i32
    %dma_start3A_115 = tpu.memref_slice %arg5[%dma_start3A_107, %dma_start3A_114] : memref<128x200xi32, #tpu.memory_space<vmem>> -> memref<1x72xi32, #tpu.memory_space<vmem>>
    %dma_start3A_116 = tpu.memref_squeeze %dma_start3A_115 : memref<1x72xi32, #tpu.memory_space<vmem>> -> memref<72xi32, #tpu.memory_space<vmem>>
    %dma_start3A_117 = arith.constant 0 : i32
    %dma_start3A_118 = arith.constant 0 : i32
    %dma_start3A_119 = tpu.memref_slice %arg3[%dma_start3A_117, %dma_start3A_118] : memref<1000000x64xf32, #tpu.memory_space<hbm>> -> memref<1000000x64xf32, #tpu.memory_space<hbm>>
    %dma_start3A_120 = tpu.memref_slice %arg8[%dma_start3A_109] : memref<4x!tpu.dma_semaphore, #tpu.memory_space<semaphore_mem>> -> memref<1x!tpu.dma_semaphore, #tpu.memory_space<semaphore_mem>>
    %dma_start3A_121 = tpu.memref_squeeze %dma_start3A_120 : memref<1x!tpu.dma_semaphore, #tpu.memory_space<semaphore_mem>> -> memref<!tpu.dma_semaphore, #tpu.memory_space<semaphore_mem>>
    tpu.enqueue_indirect_dma source(%dma_start3A_119 : memref<1000000x64xf32, #tpu.memory_space<hbm>>) target(%dma_start3A_113 : memref<72x64xf32, #tpu.memory_space<vmem>>) offsets(%dma_start3A_116 : memref<72xi32, #tpu.memory_space<vmem>>) semaphore(%dma_start3A_121 : memref<!tpu.dma_semaphore, #tpu.memory_space<semaphore_mem>>)
    %scan3A = arith.constant 0 : i32
    %scan3A_122 = arith.constant 0 : i32
    %scan3A_123 = arith.constant 32 : i32
    %scan3A_124 = arith.addi %scan3A_122, %scan3A_123 : i32
    %scan3A_125 = arith.constant 1 : i32
    %scan3A_126 = scf.for %scan3A_128 = %scan3A_122 to %scan3A_124 step %scan3A_125 iter_args(%scan3A_129 = %scan3A) -> (i32)  : i32 {
      %mul3A_130 = arith.constant 4 : i32
      %mul3A_131 = arith.muli %scan3A_128, %mul3A_130 : i32
      %add3A_132 = arith.constant 0 : i32
      %add3A_133 = arith.addi %mul3A_131, %add3A_132 : i32
      %dma_wait3A = arith.constant 0 : i32
      %dma_wait3A_134 = arith.constant 0 : i32
      %dma_wait3A_135 = arith.constant 0 : i32
      %dma_wait3A_136 = arith.constant 0 : i32
      %dma_wait3A_137 = tpu.memref_slice %arg6[%dma_wait3A, %dma_wait3A_135, %dma_wait3A_136] : memref<4x200x64xf32, #tpu.memory_space<vmem>> -> memref<1x200x64xf32, #tpu.memory_space<vmem>>
      %dma_wait3A_138 = tpu.memref_squeeze %dma_wait3A_137 : memref<1x200x64xf32, #tpu.memory_space<vmem>> -> memref<200x64xf32, #tpu.memory_space<vmem>>
      %dma_wait3A_139 = arith.constant 0 : i32
      %dma_wait3A_140 = arith.constant 0 : i32
      %dma_wait3A_141 = tpu.memref_slice %arg3[%dma_wait3A_139, %dma_wait3A_140] : memref<1000000x64xf32, #tpu.memory_space<hbm>> -> memref<200x64xf32, #tpu.memory_space<hbm>>
      %dma_wait3A_142 = tpu.memref_slice %arg8[%dma_wait3A_134] : memref<4x!tpu.dma_semaphore, #tpu.memory_space<semaphore_mem>> -> memref<1x!tpu.dma_semaphore, #tpu.memory_space<semaphore_mem>>
      %dma_wait3A_143 = tpu.memref_squeeze %dma_wait3A_142 : memref<1x!tpu.dma_semaphore, #tpu.memory_space<semaphore_mem>> -> memref<!tpu.dma_semaphore, #tpu.memory_space<semaphore_mem>>
      %dma_wait3A_144 = arith.constant 0 : i32
      %dma_wait3A_145 = arith.constant 0 : i32
      %dma_wait3A_146 = tpu.memref_slice %arg6[%dma_wait3A, %dma_wait3A_144, %dma_wait3A_145] : memref<4x200x64xf32, #tpu.memory_space<vmem>> -> memref<1x200x64xf32, #tpu.memory_space<vmem>>
      %dma_wait3A_147 = tpu.memref_squeeze %dma_wait3A_146 : memref<1x200x64xf32, #tpu.memory_space<vmem>> -> memref<200x64xf32, #tpu.memory_space<vmem>>
      %dma_wait3A_148 = arith.constant 0 : i32
      %dma_wait3A_149 = arith.constant 0 : i32
      %dma_wait3A_150 = tpu.memref_slice %arg3[%dma_wait3A_148, %dma_wait3A_149] : memref<1000000x64xf32, #tpu.memory_space<hbm>> -> memref<200x64xf32, #tpu.memory_space<hbm>>
      tpu.wait_dma2 semaphore(%dma_wait3A_143 : memref<!tpu.dma_semaphore, #tpu.memory_space<semaphore_mem>>) src(%dma_wait3A_150 : memref<200x64xf32, #tpu.memory_space<hbm>>) dst(%dma_wait3A_147 : memref<200x64xf32, #tpu.memory_space<vmem>>)
      %broadcast_in_dim3A = arith.constant 0.000000e+00 : f32
      %broadcast_in_dim3A_151 = vector.broadcast %broadcast_in_dim3A : f32 to vector<16xf32>
      %scan3A_152 = arith.constant 0 : i32
      %scan3A_153 = arith.constant 25 : i32
      %scan3A_154 = arith.addi %scan3A_152, %scan3A_153 : i32
      %scan3A_155 = arith.constant 1 : i32
      %scan3A_156:4 = scf.for %scan3A_353 = %scan3A_152 to %scan3A_154 step %scan3A_155 iter_args(%scan3A_354 = %broadcast_in_dim3A_151, %scan3A_355 = %broadcast_in_dim3A_151, %scan3A_356 = %broadcast_in_dim3A_151, %scan3A_357 = %broadcast_in_dim3A_151) -> (vector<16xf32>, vector<16xf32>, vector<16xf32>, vector<16xf32>)  : i32 {
        %mul3A_358 = arith.constant 8 : i32
        %mul3A_359 = arith.muli %scan3A_353, %mul3A_358 : i32
        %add3A_360 = arith.constant 0 : i32
        %add3A_361 = arith.addi %mul3A_359, %add3A_360 : i32
        %get3A = arith.constant 0 : i32
        %get3A_362 = arith.index_cast %get3A : i32 to index
        %get3A_363 = arith.index_cast %add3A_361 : i32 to index
        %get3A_364 = arith.constant 0 : index
        %get3A_365 = tpu.vector_load %arg6[%get3A_362, %get3A_363, %get3A_364] {strides = array<i32>} : memref<4x200x64xf32, #tpu.memory_space<vmem>>, vector<1x1x16xf32>,
        %get3A_366 = vector.shape_cast %get3A_365 : vector<1x1x16xf32> to vector<16xf32>
        %add3A_367 = arith.addf %scan3A_354, %get3A_366 : vector<16xf32>
        %get3A_368 = arith.constant 0 : i32
        %get3A_369 = arith.index_cast %get3A_368 : i32 to index
        %get3A_370 = arith.index_cast %add3A_361 : i32 to index
        %get3A_371 = arith.constant 16 : index
        %get3A_372 = tpu.vector_load %arg6[%get3A_369, %get3A_370, %get3A_371] {strides = array<i32>} : memref<4x200x64xf32, #tpu.memory_space<vmem>>, vector<1x1x16xf32>,
        %get3A_373 = vector.shape_cast %get3A_372 : vector<1x1x16xf32> to vector<16xf32>
        %add3A_374 = arith.addf %scan3A_355, %get3A_373 : vector<16xf32>
        %get3A_375 = arith.constant 0 : i32
        %get3A_376 = arith.index_cast %get3A_375 : i32 to index
        %get3A_377 = arith.index_cast %add3A_361 : i32 to index
        %get3A_378 = arith.constant 32 : index
        %get3A_379 = tpu.vector_load %arg6[%get3A_376, %get3A_377, %get3A_378] {strides = array<i32>} : memref<4x200x64xf32, #tpu.memory_space<vmem>>, vector<1x1x16xf32>,
        %get3A_380 = vector.shape_cast %get3A_379 : vector<1x1x16xf32> to vector<16xf32>
        %add3A_381 = arith.addf %scan3A_356, %get3A_380 : vector<16xf32>
        %get3A_382 = arith.constant 0 : i32
        %get3A_383 = arith.index_cast %get3A_382 : i32 to index
        %get3A_384 = arith.index_cast %add3A_361 : i32 to index
        %get3A_385 = arith.constant 48 : index
        %get3A_386 = tpu.vector_load %arg6[%get3A_383, %get3A_384, %get3A_385] {strides = array<i32>} : memref<4x200x64xf32, #tpu.memory_space<vmem>>, vector<1x1x16xf32>,
        %get3A_387 = vector.shape_cast %get3A_386 : vector<1x1x16xf32> to vector<16xf32>
        %add3A_388 = arith.addf %scan3A_357, %get3A_387 : vector<16xf32>
        %mul3A_389 = arith.constant 8 : i32
        %mul3A_390 = arith.muli %scan3A_353, %mul3A_389 : i32
        %add3A_391 = arith.constant 1 : i32
        %add3A_392 = arith.addi %mul3A_390, %add3A_391 : i32
        %get3A_393 = arith.constant 0 : i32
        %get3A_394 = arith.index_cast %get3A_393 : i32 to index
        %get3A_395 = arith.index_cast %add3A_392 : i32 to index
        %get3A_396 = arith.constant 0 : index
        %get3A_397 = tpu.vector_load %arg6[%get3A_394, %get3A_395, %get3A_396] {strides = array<i32>} : memref<4x200x64xf32, #tpu.memory_space<vmem>>, vector<1x1x16xf32>,
        %get3A_398 = vector.shape_cast %get3A_397 : vector<1x1x16xf32> to vector<16xf32>
        %add3A_399 = arith.addf %add3A_367, %get3A_398 : vector<16xf32>
        %get3A_400 = arith.constant 0 : i32
        %get3A_401 = arith.index_cast %get3A_400 : i32 to index
        %get3A_402 = arith.index_cast %add3A_392 : i32 to index
        %get3A_403 = arith.constant 16 : index
        %get3A_404 = tpu.vector_load %arg6[%get3A_401, %get3A_402, %get3A_403] {strides = array<i32>} : memref<4x200x64xf32, #tpu.memory_space<vmem>>, vector<1x1x16xf32>,
        %get3A_405 = vector.shape_cast %get3A_404 : vector<1x1x16xf32> to vector<16xf32>
        %add3A_406 = arith.addf %add3A_374, %get3A_405 : vector<16xf32>
        %get3A_407 = arith.constant 0 : i32
        %get3A_408 = arith.index_cast %get3A_407 : i32 to index
        %get3A_409 = arith.index_cast %add3A_392 : i32 to index
        %get3A_410 = arith.constant 32 : index
        %get3A_411 = tpu.vector_load %arg6[%get3A_408, %get3A_409, %get3A_410] {strides = array<i32>} : memref<4x200x64xf32, #tpu.memory_space<vmem>>, vector<1x1x16xf32>,
        %get3A_412 = vector.shape_cast %get3A_411 : vector<1x1x16xf32> to vector<16xf32>
        %add3A_413 = arith.addf %add3A_381, %get3A_412 : vector<16xf32>
        %get3A_414 = arith.constant 0 : i32
        %get3A_415 = arith.index_cast %get3A_414 : i32 to index
        %get3A_416 = arith.index_cast %add3A_392 : i32 to index
        %get3A_417 = arith.constant 48 : index
        %get3A_418 = tpu.vector_load %arg6[%get3A_415, %get3A_416, %get3A_417] {strides = array<i32>} : memref<4x200x64xf32, #tpu.memory_space<vmem>>, vector<1x1x16xf32>,
        %get3A_419 = vector.shape_cast %get3A_418 : vector<1x1x16xf32> to vector<16xf32>
        %add3A_420 = arith.addf %add3A_388, %get3A_419 : vector<16xf32>
        %mul3A_421 = arith.constant 8 : i32
        %mul3A_422 = arith.muli %scan3A_353, %mul3A_421 : i32
        %add3A_423 = arith.constant 2 : i32
        %add3A_424 = arith.addi %mul3A_422, %add3A_423 : i32
        %get3A_425 = arith.constant 0 : i32
        %get3A_426 = arith.index_cast %get3A_425 : i32 to index
        %get3A_427 = arith.index_cast %add3A_424 : i32 to index
        %get3A_428 = arith.constant 0 : index
        %get3A_429 = tpu.vector_load %arg6[%get3A_426, %get3A_427, %get3A_428] {strides = array<i32>} : memref<4x200x64xf32, #tpu.memory_space<vmem>>, vector<1x1x16xf32>,
        %get3A_430 = vector.shape_cast %get3A_429 : vector<1x1x16xf32> to vector<16xf32>
        %add3A_431 = arith.addf %add3A_399, %get3A_430 : vector<16xf32>
        %get3A_432 = arith.constant 0 : i32
        %get3A_433 = arith.index_cast %get3A_432 : i32 to index
        %get3A_434 = arith.index_cast %add3A_424 : i32 to index
        %get3A_435 = arith.constant 16 : index
        %get3A_436 = tpu.vector_load %arg6[%get3A_433, %get3A_434, %get3A_435] {strides = array<i32>} : memref<4x200x64xf32, #tpu.memory_space<vmem>>, vector<1x1x16xf32>,
        %get3A_437 = vector.shape_cast %get3A_436 : vector<1x1x16xf32> to vector<16xf32>
        %add3A_438 = arith.addf %add3A_406, %get3A_437 : vector<16xf32>
        %get3A_439 = arith.constant 0 : i32
        %get3A_440 = arith.index_cast %get3A_439 : i32 to index
        %get3A_441 = arith.index_cast %add3A_424 : i32 to index
        %get3A_442 = arith.constant 32 : index
        %get3A_443 = tpu.vector_load %arg6[%get3A_440, %get3A_441, %get3A_442] {strides = array<i32>} : memref<4x200x64xf32, #tpu.memory_space<vmem>>, vector<1x1x16xf32>,
        %get3A_444 = vector.shape_cast %get3A_443 : vector<1x1x16xf32> to vector<16xf32>
        %add3A_445 = arith.addf %add3A_413, %get3A_444 : vector<16xf32>
        %get3A_446 = arith.constant 0 : i32
        %get3A_447 = arith.index_cast %get3A_446 : i32 to index
        %get3A_448 = arith.index_cast %add3A_424 : i32 to index
        %get3A_449 = arith.constant 48 : index
        %get3A_450 = tpu.vector_load %arg6[%get3A_447, %get3A_448, %get3A_449] {strides = array<i32>} : memref<4x200x64xf32, #tpu.memory_space<vmem>>, vector<1x1x16xf32>,
        %get3A_451 = vector.shape_cast %get3A_450 : vector<1x1x16xf32> to vector<16xf32>
        %add3A_452 = arith.addf %add3A_420, %get3A_451 : vector<16xf32>
        %mul3A_453 = arith.constant 8 : i32
        %mul3A_454 = arith.muli %scan3A_353, %mul3A_453 : i32
        %add3A_455 = arith.constant 3 : i32
        %add3A_456 = arith.addi %mul3A_454, %add3A_455 : i32
        %get3A_457 = arith.constant 0 : i32
        %get3A_458 = arith.index_cast %get3A_457 : i32 to index
        %get3A_459 = arith.index_cast %add3A_456 : i32 to index
        %get3A_460 = arith.constant 0 : index
        %get3A_461 = tpu.vector_load %arg6[%get3A_458, %get3A_459, %get3A_460] {strides = array<i32>} : memref<4x200x64xf32, #tpu.memory_space<vmem>>, vector<1x1x16xf32>,
        %get3A_462 = vector.shape_cast %get3A_461 : vector<1x1x16xf32> to vector<16xf32>
        %add3A_463 = arith.addf %add3A_431, %get3A_462 : vector<16xf32>
        %get3A_464 = arith.constant 0 : i32
        %get3A_465 = arith.index_cast %get3A_464 : i32 to index
        %get3A_466 = arith.index_cast %add3A_456 : i32 to index
        %get3A_467 = arith.constant 16 : index
        %get3A_468 = tpu.vector_load %arg6[%get3A_465, %get3A_466, %get3A_467] {strides = array<i32>} : memref<4x200x64xf32, #tpu.memory_space<vmem>>, vector<1x1x16xf32>,
        %get3A_469 = vector.shape_cast %get3A_468 : vector<1x1x16xf32> to vector<16xf32>
        %add3A_470 = arith.addf %add3A_438, %get3A_469 : vector<16xf32>
        %get3A_471 = arith.constant 0 : i32
        %get3A_472 = arith.index_cast %get3A_471 : i32 to index
        %get3A_473 = arith.index_cast %add3A_456 : i32 to index
        %get3A_474 = arith.constant 32 : index
        %get3A_475 = tpu.vector_load %arg6[%get3A_472, %get3A_473, %get3A_474] {strides = array<i32>} : memref<4x200x64xf32, #tpu.memory_space<vmem>>, vector<1x1x16xf32>,
        %get3A_476 = vector.shape_cast %get3A_475 : vector<1x1x16xf32> to vector<16xf32>
        %add3A_477 = arith.addf %add3A_445, %get3A_476 : vector<16xf32>
        %get3A_478 = arith.constant 0 : i32
        %get3A_479 = arith.index_cast %get3A_478 : i32 to index
        %get3A_480 = arith.index_cast %add3A_456 : i32 to index
        %get3A_481 = arith.constant 48 : index
        %get3A_482 = tpu.vector_load %arg6[%get3A_479, %get3A_480, %get3A_481] {strides = array<i32>} : memref<4x200x64xf32, #tpu.memory_space<vmem>>, vector<1x1x16xf32>,
        %get3A_483 = vector.shape_cast %get3A_482 : vector<1x1x16xf32> to vector<16xf32>
        %add3A_484 = arith.addf %add3A_452, %get3A_483 : vector<16xf32>
        %mul3A_485 = arith.constant 8 : i32
        %mul3A_486 = arith.muli %scan3A_353, %mul3A_485 : i32
        %add3A_487 = arith.constant 4 : i32
        %add3A_488 = arith.addi %mul3A_486, %add3A_487 : i32
        %get3A_489 = arith.constant 0 : i32
        %get3A_490 = arith.index_cast %get3A_489 : i32 to index
        %get3A_491 = arith.index_cast %add3A_488 : i32 to index
        %get3A_492 = arith.constant 0 : index
        %get3A_493 = tpu.vector_load %arg6[%get3A_490, %get3A_491, %get3A_492] {strides = array<i32>} : memref<4x200x64xf32, #tpu.memory_space<vmem>>, vector<1x1x16xf32>,
        %get3A_494 = vector.shape_cast %get3A_493 : vector<1x1x16xf32> to vector<16xf32>
        %add3A_495 = arith.addf %add3A_463, %get3A_494 : vector<16xf32>
        %get3A_496 = arith.constant 0 : i32
        %get3A_497 = arith.index_cast %get3A_496 : i32 to index
        %get3A_498 = arith.index_cast %add3A_488 : i32 to index
        %get3A_499 = arith.constant 16 : index
        %get3A_500 = tpu.vector_load %arg6[%get3A_497, %get3A_498, %get3A_499] {strides = array<i32>} : memref<4x200x64xf32, #tpu.memory_space<vmem>>, vector<1x1x16xf32>,
        %get3A_501 = vector.shape_cast %get3A_500 : vector<1x1x16xf32> to vector<16xf32>
        %add3A_502 = arith.addf %add3A_470, %get3A_501 : vector<16xf32>
        %get3A_503 = arith.constant 0 : i32
        %get3A_504 = arith.index_cast %get3A_503 : i32 to index
        %get3A_505 = arith.index_cast %add3A_488 : i32 to index
        %get3A_506 = arith.constant 32 : index
        %get3A_507 = tpu.vector_load %arg6[%get3A_504, %get3A_505, %get3A_506] {strides = array<i32>} : memref<4x200x64xf32, #tpu.memory_space<vmem>>, vector<1x1x16xf32>,
        %get3A_508 = vector.shape_cast %get3A_507 : vector<1x1x16xf32> to vector<16xf32>
        %add3A_509 = arith.addf %add3A_477, %get3A_508 : vector<16xf32>
        %get3A_510 = arith.constant 0 : i32
        %get3A_511 = arith.index_cast %get3A_510 : i32 to index
        %get3A_512 = arith.index_cast %add3A_488 : i32 to index
        %get3A_513 = arith.constant 48 : index
        %get3A_514 = tpu.vector_load %arg6[%get3A_511, %get3A_512, %get3A_513] {strides = array<i32>} : memref<4x200x64xf32, #tpu.memory_space<vmem>>, vector<1x1x16xf32>,
        %get3A_515 = vector.shape_cast %get3A_514 : vector<1x1x16xf32> to vector<16xf32>
        %add3A_516 = arith.addf %add3A_484, %get3A_515 : vector<16xf32>
        %mul3A_517 = arith.constant 8 : i32
        %mul3A_518 = arith.muli %scan3A_353, %mul3A_517 : i32
        %add3A_519 = arith.constant 5 : i32
        %add3A_520 = arith.addi %mul3A_518, %add3A_519 : i32
        %get3A_521 = arith.constant 0 : i32
        %get3A_522 = arith.index_cast %get3A_521 : i32 to index
        %get3A_523 = arith.index_cast %add3A_520 : i32 to index
        %get3A_524 = arith.constant 0 : index
        %get3A_525 = tpu.vector_load %arg6[%get3A_522, %get3A_523, %get3A_524] {strides = array<i32>} : memref<4x200x64xf32, #tpu.memory_space<vmem>>, vector<1x1x16xf32>,
        %get3A_526 = vector.shape_cast %get3A_525 : vector<1x1x16xf32> to vector<16xf32>
        %add3A_527 = arith.addf %add3A_495, %get3A_526 : vector<16xf32>
        %get3A_528 = arith.constant 0 : i32
        %get3A_529 = arith.index_cast %get3A_528 : i32 to index
        %get3A_530 = arith.index_cast %add3A_520 : i32 to index
        %get3A_531 = arith.constant 16 : index
        %get3A_532 = tpu.vector_load %arg6[%get3A_529, %get3A_530, %get3A_531] {strides = array<i32>} : memref<4x200x64xf32, #tpu.memory_space<vmem>>, vector<1x1x16xf32>,
        %get3A_533 = vector.shape_cast %get3A_532 : vector<1x1x16xf32> to vector<16xf32>
        %add3A_534 = arith.addf %add3A_502, %get3A_533 : vector<16xf32>
        %get3A_535 = arith.constant 0 : i32
        %get3A_536 = arith.index_cast %get3A_535 : i32 to index
        %get3A_537 = arith.index_cast %add3A_520 : i32 to index
        %get3A_538 = arith.constant 32 : index
        %get3A_539 = tpu.vector_load %arg6[%get3A_536, %get3A_537, %get3A_538] {strides = array<i32>} : memref<4x200x64xf32, #tpu.memory_space<vmem>>, vector<1x1x16xf32>,
        %get3A_540 = vector.shape_cast %get3A_539 : vector<1x1x16xf32> to vector<16xf32>
        %add3A_541 = arith.addf %add3A_509, %get3A_540 : vector<16xf32>
        %get3A_542 = arith.constant 0 : i32
        %get3A_543 = arith.index_cast %get3A_542 : i32 to index
        %get3A_544 = arith.index_cast %add3A_520 : i32 to index
        %get3A_545 = arith.constant 48 : index
        %get3A_546 = tpu.vector_load %arg6[%get3A_543, %get3A_544, %get3A_545] {strides = array<i32>} : memref<4x200x64xf32, #tpu.memory_space<vmem>>, vector<1x1x16xf32>,
        %get3A_547 = vector.shape_cast %get3A_546 : vector<1x1x16xf32> to vector<16xf32>
        %add3A_548 = arith.addf %add3A_516, %get3A_547 : vector<16xf32>
        %mul3A_549 = arith.constant 8 : i32
        %mul3A_550 = arith.muli %scan3A_353, %mul3A_549 : i32
        %add3A_551 = arith.constant 6 : i32
        %add3A_552 = arith.addi %mul3A_550, %add3A_551 : i32
        %get3A_553 = arith.constant 0 : i32
        %get3A_554 = arith.index_cast %get3A_553 : i32 to index
        %get3A_555 = arith.index_cast %add3A_552 : i32 to index
        %get3A_556 = arith.constant 0 : index
        %get3A_557 = tpu.vector_load %arg6[%get3A_554, %get3A_555, %get3A_556] {strides = array<i32>} : memref<4x200x64xf32, #tpu.memory_space<vmem>>, vector<1x1x16xf32>,
        %get3A_558 = vector.shape_cast %get3A_557 : vector<1x1x16xf32> to vector<16xf32>
        %add3A_559 = arith.addf %add3A_527, %get3A_558 : vector<16xf32>
        %get3A_560 = arith.constant 0 : i32
        %get3A_561 = arith.index_cast %get3A_560 : i32 to index
        %get3A_562 = arith.index_cast %add3A_552 : i32 to index
        %get3A_563 = arith.constant 16 : index
        %get3A_564 = tpu.vector_load %arg6[%get3A_561, %get3A_562, %get3A_563] {strides = array<i32>} : memref<4x200x64xf32, #tpu.memory_space<vmem>>, vector<1x1x16xf32>,
        %get3A_565 = vector.shape_cast %get3A_564 : vector<1x1x16xf32> to vector<16xf32>
        %add3A_566 = arith.addf %add3A_534, %get3A_565 : vector<16xf32>
        %get3A_567 = arith.constant 0 : i32
        %get3A_568 = arith.index_cast %get3A_567 : i32 to index
        %get3A_569 = arith.index_cast %add3A_552 : i32 to index
        %get3A_570 = arith.constant 32 : index
        %get3A_571 = tpu.vector_load %arg6[%get3A_568, %get3A_569, %get3A_570] {strides = array<i32>} : memref<4x200x64xf32, #tpu.memory_space<vmem>>, vector<1x1x16xf32>,
        %get3A_572 = vector.shape_cast %get3A_571 : vector<1x1x16xf32> to vector<16xf32>
        %add3A_573 = arith.addf %add3A_541, %get3A_572 : vector<16xf32>
        %get3A_574 = arith.constant 0 : i32
        %get3A_575 = arith.index_cast %get3A_574 : i32 to index
        %get3A_576 = arith.index_cast %add3A_552 : i32 to index
        %get3A_577 = arith.constant 48 : index
        %get3A_578 = tpu.vector_load %arg6[%get3A_575, %get3A_576, %get3A_577] {strides = array<i32>} : memref<4x200x64xf32, #tpu.memory_space<vmem>>, vector<1x1x16xf32>,
        %get3A_579 = vector.shape_cast %get3A_578 : vector<1x1x16xf32> to vector<16xf32>
        %add3A_580 = arith.addf %add3A_548, %get3A_579 : vector<16xf32>
        %mul3A_581 = arith.constant 8 : i32
        %mul3A_582 = arith.muli %scan3A_353, %mul3A_581 : i32
        %add3A_583 = arith.constant 7 : i32
        %add3A_584 = arith.addi %mul3A_582, %add3A_583 : i32
        %get3A_585 = arith.constant 0 : i32
        %get3A_586 = arith.index_cast %get3A_585 : i32 to index
        %get3A_587 = arith.index_cast %add3A_584 : i32 to index
        %get3A_588 = arith.constant 0 : index
        %get3A_589 = tpu.vector_load %arg6[%get3A_586, %get3A_587, %get3A_588] {strides = array<i32>} : memref<4x200x64xf32, #tpu.memory_space<vmem>>, vector<1x1x16xf32>,
        %get3A_590 = vector.shape_cast %get3A_589 : vector<1x1x16xf32> to vector<16xf32>
        %add3A_591 = arith.addf %add3A_559, %get3A_590 : vector<16xf32>
        %get3A_592 = arith.constant 0 : i32
        %get3A_593 = arith.index_cast %get3A_592 : i32 to index
        %get3A_594 = arith.index_cast %add3A_584 : i32 to index
        %get3A_595 = arith.constant 16 : index
        %get3A_596 = tpu.vector_load %arg6[%get3A_593, %get3A_594, %get3A_595] {strides = array<i32>} : memref<4x200x64xf32, #tpu.memory_space<vmem>>, vector<1x1x16xf32>,
        %get3A_597 = vector.shape_cast %get3A_596 : vector<1x1x16xf32> to vector<16xf32>
        %add3A_598 = arith.addf %add3A_566, %get3A_597 : vector<16xf32>
        %get3A_599 = arith.constant 0 : i32
        %get3A_600 = arith.index_cast %get3A_599 : i32 to index
        %get3A_601 = arith.index_cast %add3A_584 : i32 to index
        %get3A_602 = arith.constant 32 : index
        %get3A_603 = tpu.vector_load %arg6[%get3A_600, %get3A_601, %get3A_602] {strides = array<i32>} : memref<4x200x64xf32, #tpu.memory_space<vmem>>, vector<1x1x16xf32>,
        %get3A_604 = vector.shape_cast %get3A_603 : vector<1x1x16xf32> to vector<16xf32>
        %add3A_605 = arith.addf %add3A_573, %get3A_604 : vector<16xf32>
        %get3A_606 = arith.constant 0 : i32
        %get3A_607 = arith.index_cast %get3A_606 : i32 to index
        %get3A_608 = arith.index_cast %add3A_584 : i32 to index
        %get3A_609 = arith.constant 48 : index
        %get3A_610 = tpu.vector_load %arg6[%get3A_607, %get3A_608, %get3A_609] {strides = array<i32>} : memref<4x200x64xf32, #tpu.memory_space<vmem>>, vector<1x1x16xf32>,
        %get3A_611 = vector.shape_cast %get3A_610 : vector<1x1x16xf32> to vector<16xf32>
        %add3A_612 = arith.addf %add3A_580, %get3A_611 : vector<16xf32>
        scf.yield %add3A_591, %add3A_598, %add3A_605, %add3A_612 : vector<16xf32>, vector<16xf32>, vector<16xf32>, vector<16xf32>
      }
      %scan3A_157 = arith.constant 25 : i32
      %swap3A = arith.index_cast %add3A_133 : i32 to index
      %swap3A_158 = arith.constant 0 : index
      %swap3A_159 = tpu.vector_load %arg7[%swap3A, %swap3A_158] {strides = array<i32>} : memref<128x64xf32, #tpu.memory_space<vmem>>, vector<1x16xf32>,
      %swap3A_160 = vector.shape_cast %swap3A_159 : vector<1x16xf32> to vector<16xf32>
      %swap3A_161 = vector.shape_cast %scan3A_156#0 : vector<16xf32> to vector<1x16xf32>
      tpu.vector_store %arg7[%swap3A, %swap3A_158], %swap3A_161 {strides = array<i32>} : memref<128x64xf32, #tpu.memory_space<vmem>>, vector<1x16xf32>,
      %swap3A_162 = arith.index_cast %add3A_133 : i32 to index
      %swap3A_163 = arith.constant 16 : index
      %swap3A_164 = tpu.vector_load %arg7[%swap3A_162, %swap3A_163] {strides = array<i32>} : memref<128x64xf32, #tpu.memory_space<vmem>>, vector<1x16xf32>,
      %swap3A_165 = vector.shape_cast %swap3A_164 : vector<1x16xf32> to vector<16xf32>
      %swap3A_166 = vector.shape_cast %scan3A_156#1 : vector<16xf32> to vector<1x16xf32>
      tpu.vector_store %arg7[%swap3A_162, %swap3A_163], %swap3A_166 {strides = array<i32>} : memref<128x64xf32, #tpu.memory_space<vmem>>, vector<1x16xf32>,
      %swap3A_167 = arith.index_cast %add3A_133 : i32 to index
      %swap3A_168 = arith.constant 32 : index
      %swap3A_169 = tpu.vector_load %arg7[%swap3A_167, %swap3A_168] {strides = array<i32>} : memref<128x64xf32, #tpu.memory_space<vmem>>, vector<1x16xf32>,
      %swap3A_170 = vector.shape_cast %swap3A_169 : vector<1x16xf32> to vector<16xf32>
      %swap3A_171 = vector.shape_cast %scan3A_156#2 : vector<16xf32> to vector<1x16xf32>
      tpu.vector_store %arg7[%swap3A_167, %swap3A_168], %swap3A_171 {strides = array<i32>} : memref<128x64xf32, #tpu.memory_space<vmem>>, vector<1x16xf32>,
      %swap3A_172 = arith.index_cast %add3A_133 : i32 to index
      %swap3A_173 = arith.constant 48 : index
      %swap3A_174 = tpu.vector_load %arg7[%swap3A_172, %swap3A_173] {strides = array<i32>} : memref<128x64xf32, #tpu.memory_space<vmem>>, vector<1x16xf32>,
      %swap3A_175 = vector.shape_cast %swap3A_174 : vector<1x16xf32> to vector<16xf32>
      %swap3A_176 = vector.shape_cast %scan3A_156#3 : vector<16xf32> to vector<1x16xf32>
      tpu.vector_store %arg7[%swap3A_172, %swap3A_173], %swap3A_176 {strides = array<i32>} : memref<128x64xf32, #tpu.memory_space<vmem>>, vector<1x16xf32>,
      %add3A_177 = arith.constant 4 : i32
      %add3A_178 = arith.addi %add3A_133, %add3A_177 : i32
      %lt3A = arith.constant 128 : i32
      %lt3A_179 = arith.cmpi slt, %add3A_178, %lt3A : i32
      %convert_element_type3A = arith.extui %lt3A_179 : i1 to i32
      %cond3A = arith.constant 0 : i32
      %cond3A_180 = arith.cmpi ne, %convert_element_type3A, %cond3A : i32
      scf.if %cond3A_180 {
        %add3A_353 = arith.constant 4 : i32
        %add3A_354 = arith.addi %add3A_133, %add3A_353 : i32
        %dma_start3A_355 = arith.constant 0 : i32
        %dma_start3A_356 = arith.constant 0 : i32
        %dma_start3A_357 = arith.constant 0 : i32
        %dma_start3A_358 = arith.constant 0 : i32
        %dma_start3A_359 = tpu.memref_slice %arg6[%dma_start3A_355, %dma_start3A_357, %dma_start3A_358] : memref<4x200x64xf32, #tpu.memory_space<vmem>> -> memref<1x128x64xf32, #tpu.memory_space<vmem>>
        %dma_start3A_360 = tpu.memref_squeeze %dma_start3A_359 : memref<1x128x64xf32, #tpu.memory_space<vmem>> -> memref<128x64xf32, #tpu.memory_space<vmem>>
        %dma_start3A_361 = arith.constant 0 : i32
        %dma_start3A_362 = tpu.memref_slice %arg5[%add3A_354, %dma_start3A_361] : memref<128x200xi32, #tpu.memory_space<vmem>> -> memref<1x128xi32, #tpu.memory_space<vmem>>
        %dma_start3A_363 = tpu.memref_squeeze %dma_start3A_362 : memref<1x128xi32, #tpu.memory_space<vmem>> -> memref<128xi32, #tpu.memory_space<vmem>>
        %dma_start3A_364 = arith.constant 0 : i32
        %dma_start3A_365 = arith.constant 0 : i32
        %dma_start3A_366 = tpu.memref_slice %arg3[%dma_start3A_364, %dma_start3A_365] : memref<1000000x64xf32, #tpu.memory_space<hbm>> -> memref<1000000x64xf32, #tpu.memory_space<hbm>>
        %dma_start3A_367 = tpu.memref_slice %arg8[%dma_start3A_356] : memref<4x!tpu.dma_semaphore, #tpu.memory_space<semaphore_mem>> -> memref<1x!tpu.dma_semaphore, #tpu.memory_space<semaphore_mem>>
        %dma_start3A_368 = tpu.memref_squeeze %dma_start3A_367 : memref<1x!tpu.dma_semaphore, #tpu.memory_space<semaphore_mem>> -> memref<!tpu.dma_semaphore, #tpu.memory_space<semaphore_mem>>
        tpu.enqueue_indirect_dma source(%dma_start3A_366 : memref<1000000x64xf32, #tpu.memory_space<hbm>>) target(%dma_start3A_360 : memref<128x64xf32, #tpu.memory_space<vmem>>) offsets(%dma_start3A_363 : memref<128xi32, #tpu.memory_space<vmem>>) semaphore(%dma_start3A_368 : memref<!tpu.dma_semaphore, #tpu.memory_space<semaphore_mem>>)
        %dma_start3A_369 = arith.constant 0 : i32
        %dma_start3A_370 = arith.constant 0 : i32
        %dma_start3A_371 = arith.constant 128 : i32
        %dma_start3A_372 = arith.constant 0 : i32
        %dma_start3A_373 = tpu.memref_slice %arg6[%dma_start3A_369, %dma_start3A_371, %dma_start3A_372] : memref<4x200x64xf32, #tpu.memory_space<vmem>> -> memref<1x72x64xf32, #tpu.memory_space<vmem>>
        %dma_start3A_374 = tpu.memref_squeeze %dma_start3A_373 : memref<1x72x64xf32, #tpu.memory_space<vmem>> -> memref<72x64xf32, #tpu.memory_space<vmem>>
        %dma_start3A_375 = arith.constant 128 : i32
        %dma_start3A_376 = tpu.memref_slice %arg5[%add3A_354, %dma_start3A_375] : memref<128x200xi32, #tpu.memory_space<vmem>> -> memref<1x72xi32, #tpu.memory_space<vmem>>
        %dma_start3A_377 = tpu.memref_squeeze %dma_start3A_376 : memref<1x72xi32, #tpu.memory_space<vmem>> -> memref<72xi32, #tpu.memory_space<vmem>>
        %dma_start3A_378 = arith.constant 0 : i32
        %dma_start3A_379 = arith.constant 0 : i32
        %dma_start3A_380 = tpu.memref_slice %arg3[%dma_start3A_378, %dma_start3A_379] : memref<1000000x64xf32, #tpu.memory_space<hbm>> -> memref<1000000x64xf32, #tpu.memory_space<hbm>>
        %dma_start3A_381 = tpu.memref_slice %arg8[%dma_start3A_370] : memref<4x!tpu.dma_semaphore, #tpu.memory_space<semaphore_mem>> -> memref<1x!tpu.dma_semaphore, #tpu.memory_space<semaphore_mem>>
        %dma_start3A_382 = tpu.memref_squeeze %dma_start3A_381 : memref<1x!tpu.dma_semaphore, #tpu.memory_space<semaphore_mem>> -> memref<!tpu.dma_semaphore, #tpu.memory_space<semaphore_mem>>
        tpu.enqueue_indirect_dma source(%dma_start3A_380 : memref<1000000x64xf32, #tpu.memory_space<hbm>>) target(%dma_start3A_374 : memref<72x64xf32, #tpu.memory_space<vmem>>) offsets(%dma_start3A_377 : memref<72xi32, #tpu.memory_space<vmem>>) semaphore(%dma_start3A_382 : memref<!tpu.dma_semaphore, #tpu.memory_space<semaphore_mem>>)
      } else {
      }
      %mul3A_181 = arith.constant 4 : i32
      %mul3A_182 = arith.muli %scan3A_128, %mul3A_181 : i32
      %add3A_183 = arith.constant 1 : i32
      %add3A_184 = arith.addi %mul3A_182, %add3A_183 : i32
      %dma_wait3A_185 = arith.constant 1 : i32
      %dma_wait3A_186 = arith.constant 1 : i32
      %dma_wait3A_187 = arith.constant 0 : i32
      %dma_wait3A_188 = arith.constant 0 : i32
      %dma_wait3A_189 = tpu.memref_slice %arg6[%dma_wait3A_185, %dma_wait3A_187, %dma_wait3A_188] : memref<4x200x64xf32, #tpu.memory_space<vmem>> -> memref<1x200x64xf32, #tpu.memory_space<vmem>>
      %dma_wait3A_190 = tpu.memref_squeeze %dma_wait3A_189 : memref<1x200x64xf32, #tpu.memory_space<vmem>> -> memref<200x64xf32, #tpu.memory_space<vmem>>
      %dma_wait3A_191 = arith.constant 0 : i32
      %dma_wait3A_192 = arith.constant 0 : i32
      %dma_wait3A_193 = tpu.memref_slice %arg3[%dma_wait3A_191, %dma_wait3A_192] : memref<1000000x64xf32, #tpu.memory_space<hbm>> -> memref<200x64xf32, #tpu.memory_space<hbm>>
      %dma_wait3A_194 = tpu.memref_slice %arg8[%dma_wait3A_186] : memref<4x!tpu.dma_semaphore, #tpu.memory_space<semaphore_mem>> -> memref<1x!tpu.dma_semaphore, #tpu.memory_space<semaphore_mem>>
      %dma_wait3A_195 = tpu.memref_squeeze %dma_wait3A_194 : memref<1x!tpu.dma_semaphore, #tpu.memory_space<semaphore_mem>> -> memref<!tpu.dma_semaphore, #tpu.memory_space<semaphore_mem>>
      %dma_wait3A_196 = arith.constant 0 : i32
      %dma_wait3A_197 = arith.constant 0 : i32
      %dma_wait3A_198 = tpu.memref_slice %arg6[%dma_wait3A_185, %dma_wait3A_196, %dma_wait3A_197] : memref<4x200x64xf32, #tpu.memory_space<vmem>> -> memref<1x200x64xf32, #tpu.memory_space<vmem>>
      %dma_wait3A_199 = tpu.memref_squeeze %dma_wait3A_198 : memref<1x200x64xf32, #tpu.memory_space<vmem>> -> memref<200x64xf32, #tpu.memory_space<vmem>>
      %dma_wait3A_200 = arith.constant 0 : i32
      %dma_wait3A_201 = arith.constant 0 : i32
      %dma_wait3A_202 = tpu.memref_slice %arg3[%dma_wait3A_200, %dma_wait3A_201] : memref<1000000x64xf32, #tpu.memory_space<hbm>> -> memref<200x64xf32, #tpu.memory_space<hbm>>
      tpu.wait_dma2 semaphore(%dma_wait3A_195 : memref<!tpu.dma_semaphore, #tpu.memory_space<semaphore_mem>>) src(%dma_wait3A_202 : memref<200x64xf32, #tpu.memory_space<hbm>>) dst(%dma_wait3A_199 : memref<200x64xf32, #tpu.memory_space<vmem>>)
      %broadcast_in_dim3A_203 = arith.constant 0.000000e+00 : f32
      %broadcast_in_dim3A_204 = vector.broadcast %broadcast_in_dim3A_203 : f32 to vector<16xf32>
      %scan3A_205 = arith.constant 0 : i32
      %scan3A_206 = arith.constant 25 : i32
      %scan3A_207 = arith.addi %scan3A_205, %scan3A_206 : i32
      %scan3A_208 = arith.constant 1 : i32
      %scan3A_209:4 = scf.for %scan3A_353 = %scan3A_205 to %scan3A_207 step %scan3A_208 iter_args(%scan3A_354 = %broadcast_in_dim3A_204, %scan3A_355 = %broadcast_in_dim3A_204, %scan3A_356 = %broadcast_in_dim3A_204, %scan3A_357 = %broadcast_in_dim3A_204) -> (vector<16xf32>, vector<16xf32>, vector<16xf32>, vector<16xf32>)  : i32 {
        %mul3A_358 = arith.constant 8 : i32
        %mul3A_359 = arith.muli %scan3A_353, %mul3A_358 : i32
        %add3A_360 = arith.constant 0 : i32
        %add3A_361 = arith.addi %mul3A_359, %add3A_360 : i32
        %get3A = arith.constant 1 : i32
        %get3A_362 = arith.index_cast %get3A : i32 to index
        %get3A_363 = arith.index_cast %add3A_361 : i32 to index
        %get3A_364 = arith.constant 0 : index
        %get3A_365 = tpu.vector_load %arg6[%get3A_362, %get3A_363, %get3A_364] {strides = array<i32>} : memref<4x200x64xf32, #tpu.memory_space<vmem>>, vector<1x1x16xf32>,
        %get3A_366 = vector.shape_cast %get3A_365 : vector<1x1x16xf32> to vector<16xf32>
        %add3A_367 = arith.addf %scan3A_354, %get3A_366 : vector<16xf32>
        %get3A_368 = arith.constant 1 : i32
        %get3A_369 = arith.index_cast %get3A_368 : i32 to index
        %get3A_370 = arith.index_cast %add3A_361 : i32 to index
        %get3A_371 = arith.constant 16 : index
        %get3A_372 = tpu.vector_load %arg6[%get3A_369, %get3A_370, %get3A_371] {strides = array<i32>} : memref<4x200x64xf32, #tpu.memory_space<vmem>>, vector<1x1x16xf32>,
        %get3A_373 = vector.shape_cast %get3A_372 : vector<1x1x16xf32> to vector<16xf32>
        %add3A_374 = arith.addf %scan3A_355, %get3A_373 : vector<16xf32>
        %get3A_375 = arith.constant 1 : i32
        %get3A_376 = arith.index_cast %get3A_375 : i32 to index
        %get3A_377 = arith.index_cast %add3A_361 : i32 to index
        %get3A_378 = arith.constant 32 : index
        %get3A_379 = tpu.vector_load %arg6[%get3A_376, %get3A_377, %get3A_378] {strides = array<i32>} : memref<4x200x64xf32, #tpu.memory_space<vmem>>, vector<1x1x16xf32>,
        %get3A_380 = vector.shape_cast %get3A_379 : vector<1x1x16xf32> to vector<16xf32>
        %add3A_381 = arith.addf %scan3A_356, %get3A_380 : vector<16xf32>
        %get3A_382 = arith.constant 1 : i32
        %get3A_383 = arith.index_cast %get3A_382 : i32 to index
        %get3A_384 = arith.index_cast %add3A_361 : i32 to index
        %get3A_385 = arith.constant 48 : index
        %get3A_386 = tpu.vector_load %arg6[%get3A_383, %get3A_384, %get3A_385] {strides = array<i32>} : memref<4x200x64xf32, #tpu.memory_space<vmem>>, vector<1x1x16xf32>,
        %get3A_387 = vector.shape_cast %get3A_386 : vector<1x1x16xf32> to vector<16xf32>
        %add3A_388 = arith.addf %scan3A_357, %get3A_387 : vector<16xf32>
        %mul3A_389 = arith.constant 8 : i32
        %mul3A_390 = arith.muli %scan3A_353, %mul3A_389 : i32
        %add3A_391 = arith.constant 1 : i32
        %add3A_392 = arith.addi %mul3A_390, %add3A_391 : i32
        %get3A_393 = arith.constant 1 : i32
        %get3A_394 = arith.index_cast %get3A_393 : i32 to index
        %get3A_395 = arith.index_cast %add3A_392 : i32 to index
        %get3A_396 = arith.constant 0 : index
        %get3A_397 = tpu.vector_load %arg6[%get3A_394, %get3A_395, %get3A_396] {strides = array<i32>} : memref<4x200x64xf32, #tpu.memory_space<vmem>>, vector<1x1x16xf32>,
        %get3A_398 = vector.shape_cast %get3A_397 : vector<1x1x16xf32> to vector<16xf32>
        %add3A_399 = arith.addf %add3A_367, %get3A_398 : vector<16xf32>
        %get3A_400 = arith.constant 1 : i32
        %get3A_401 = arith.index_cast %get3A_400 : i32 to index
        %get3A_402 = arith.index_cast %add3A_392 : i32 to index
        %get3A_403 = arith.constant 16 : index
        %get3A_404 = tpu.vector_load %arg6[%get3A_401, %get3A_402, %get3A_403] {strides = array<i32>} : memref<4x200x64xf32, #tpu.memory_space<vmem>>, vector<1x1x16xf32>,
        %get3A_405 = vector.shape_cast %get3A_404 : vector<1x1x16xf32> to vector<16xf32>
        %add3A_406 = arith.addf %add3A_374, %get3A_405 : vector<16xf32>
        %get3A_407 = arith.constant 1 : i32
        %get3A_408 = arith.index_cast %get3A_407 : i32 to index
        %get3A_409 = arith.index_cast %add3A_392 : i32 to index
        %get3A_410 = arith.constant 32 : index
        %get3A_411 = tpu.vector_load %arg6[%get3A_408, %get3A_409, %get3A_410] {strides = array<i32>} : memref<4x200x64xf32, #tpu.memory_space<vmem>>, vector<1x1x16xf32>,
        %get3A_412 = vector.shape_cast %get3A_411 : vector<1x1x16xf32> to vector<16xf32>
        %add3A_413 = arith.addf %add3A_381, %get3A_412 : vector<16xf32>
        %get3A_414 = arith.constant 1 : i32
        %get3A_415 = arith.index_cast %get3A_414 : i32 to index
        %get3A_416 = arith.index_cast %add3A_392 : i32 to index
        %get3A_417 = arith.constant 48 : index
        %get3A_418 = tpu.vector_load %arg6[%get3A_415, %get3A_416, %get3A_417] {strides = array<i32>} : memref<4x200x64xf32, #tpu.memory_space<vmem>>, vector<1x1x16xf32>,
        %get3A_419 = vector.shape_cast %get3A_418 : vector<1x1x16xf32> to vector<16xf32>
        %add3A_420 = arith.addf %add3A_388, %get3A_419 : vector<16xf32>
        %mul3A_421 = arith.constant 8 : i32
        %mul3A_422 = arith.muli %scan3A_353, %mul3A_421 : i32
        %add3A_423 = arith.constant 2 : i32
        %add3A_424 = arith.addi %mul3A_422, %add3A_423 : i32
        %get3A_425 = arith.constant 1 : i32
        %get3A_426 = arith.index_cast %get3A_425 : i32 to index
        %get3A_427 = arith.index_cast %add3A_424 : i32 to index
        %get3A_428 = arith.constant 0 : index
        %get3A_429 = tpu.vector_load %arg6[%get3A_426, %get3A_427, %get3A_428] {strides = array<i32>} : memref<4x200x64xf32, #tpu.memory_space<vmem>>, vector<1x1x16xf32>,
        %get3A_430 = vector.shape_cast %get3A_429 : vector<1x1x16xf32> to vector<16xf32>
        %add3A_431 = arith.addf %add3A_399, %get3A_430 : vector<16xf32>
        %get3A_432 = arith.constant 1 : i32
        %get3A_433 = arith.index_cast %get3A_432 : i32 to index
        %get3A_434 = arith.index_cast %add3A_424 : i32 to index
        %get3A_435 = arith.constant 16 : index
        %get3A_436 = tpu.vector_load %arg6[%get3A_433, %get3A_434, %get3A_435] {strides = array<i32>} : memref<4x200x64xf32, #tpu.memory_space<vmem>>, vector<1x1x16xf32>,
        %get3A_437 = vector.shape_cast %get3A_436 : vector<1x1x16xf32> to vector<16xf32>
        %add3A_438 = arith.addf %add3A_406, %get3A_437 : vector<16xf32>
        %get3A_439 = arith.constant 1 : i32
        %get3A_440 = arith.index_cast %get3A_439 : i32 to index
        %get3A_441 = arith.index_cast %add3A_424 : i32 to index
        %get3A_442 = arith.constant 32 : index
        %get3A_443 = tpu.vector_load %arg6[%get3A_440, %get3A_441, %get3A_442] {strides = array<i32>} : memref<4x200x64xf32, #tpu.memory_space<vmem>>, vector<1x1x16xf32>,
        %get3A_444 = vector.shape_cast %get3A_443 : vector<1x1x16xf32> to vector<16xf32>
        %add3A_445 = arith.addf %add3A_413, %get3A_444 : vector<16xf32>
        %get3A_446 = arith.constant 1 : i32
        %get3A_447 = arith.index_cast %get3A_446 : i32 to index
        %get3A_448 = arith.index_cast %add3A_424 : i32 to index
        %get3A_449 = arith.constant 48 : index
        %get3A_450 = tpu.vector_load %arg6[%get3A_447, %get3A_448, %get3A_449] {strides = array<i32>} : memref<4x200x64xf32, #tpu.memory_space<vmem>>, vector<1x1x16xf32>,
        %get3A_451 = vector.shape_cast %get3A_450 : vector<1x1x16xf32> to vector<16xf32>
        %add3A_452 = arith.addf %add3A_420, %get3A_451 : vector<16xf32>
        %mul3A_453 = arith.constant 8 : i32
        %mul3A_454 = arith.muli %scan3A_353, %mul3A_453 : i32
        %add3A_455 = arith.constant 3 : i32
        %add3A_456 = arith.addi %mul3A_454, %add3A_455 : i32
        %get3A_457 = arith.constant 1 : i32
        %get3A_458 = arith.index_cast %get3A_457 : i32 to index
        %get3A_459 = arith.index_cast %add3A_456 : i32 to index
        %get3A_460 = arith.constant 0 : index
        %get3A_461 = tpu.vector_load %arg6[%get3A_458, %get3A_459, %get3A_460] {strides = array<i32>} : memref<4x200x64xf32, #tpu.memory_space<vmem>>, vector<1x1x16xf32>,
        %get3A_462 = vector.shape_cast %get3A_461 : vector<1x1x16xf32> to vector<16xf32>
        %add3A_463 = arith.addf %add3A_431, %get3A_462 : vector<16xf32>
        %get3A_464 = arith.constant 1 : i32
        %get3A_465 = arith.index_cast %get3A_464 : i32 to index
        %get3A_466 = arith.index_cast %add3A_456 : i32 to index
        %get3A_467 = arith.constant 16 : index
        %get3A_468 = tpu.vector_load %arg6[%get3A_465, %get3A_466, %get3A_467] {strides = array<i32>} : memref<4x200x64xf32, #tpu.memory_space<vmem>>, vector<1x1x16xf32>,
        %get3A_469 = vector.shape_cast %get3A_468 : vector<1x1x16xf32> to vector<16xf32>
        %add3A_470 = arith.addf %add3A_438, %get3A_469 : vector<16xf32>
        %get3A_471 = arith.constant 1 : i32
        %get3A_472 = arith.index_cast %get3A_471 : i32 to index
        %get3A_473 = arith.index_cast %add3A_456 : i32 to index
        %get3A_474 = arith.constant 32 : index
        %get3A_475 = tpu.vector_load %arg6[%get3A_472, %get3A_473, %get3A_474] {strides = array<i32>} : memref<4x200x64xf32, #tpu.memory_space<vmem>>, vector<1x1x16xf32>,
        %get3A_476 = vector.shape_cast %get3A_475 : vector<1x1x16xf32> to vector<16xf32>
        %add3A_477 = arith.addf %add3A_445, %get3A_476 : vector<16xf32>
        %get3A_478 = arith.constant 1 : i32
        %get3A_479 = arith.index_cast %get3A_478 : i32 to index
        %get3A_480 = arith.index_cast %add3A_456 : i32 to index
        %get3A_481 = arith.constant 48 : index
        %get3A_482 = tpu.vector_load %arg6[%get3A_479, %get3A_480, %get3A_481] {strides = array<i32>} : memref<4x200x64xf32, #tpu.memory_space<vmem>>, vector<1x1x16xf32>,
        %get3A_483 = vector.shape_cast %get3A_482 : vector<1x1x16xf32> to vector<16xf32>
        %add3A_484 = arith.addf %add3A_452, %get3A_483 : vector<16xf32>
        %mul3A_485 = arith.constant 8 : i32
        %mul3A_486 = arith.muli %scan3A_353, %mul3A_485 : i32
        %add3A_487 = arith.constant 4 : i32
        %add3A_488 = arith.addi %mul3A_486, %add3A_487 : i32
        %get3A_489 = arith.constant 1 : i32
        %get3A_490 = arith.index_cast %get3A_489 : i32 to index
        %get3A_491 = arith.index_cast %add3A_488 : i32 to index
        %get3A_492 = arith.constant 0 : index
        %get3A_493 = tpu.vector_load %arg6[%get3A_490, %get3A_491, %get3A_492] {strides = array<i32>} : memref<4x200x64xf32, #tpu.memory_space<vmem>>, vector<1x1x16xf32>,
        %get3A_494 = vector.shape_cast %get3A_493 : vector<1x1x16xf32> to vector<16xf32>
        %add3A_495 = arith.addf %add3A_463, %get3A_494 : vector<16xf32>
        %get3A_496 = arith.constant 1 : i32
        %get3A_497 = arith.index_cast %get3A_496 : i32 to index
        %get3A_498 = arith.index_cast %add3A_488 : i32 to index
        %get3A_499 = arith.constant 16 : index
        %get3A_500 = tpu.vector_load %arg6[%get3A_497, %get3A_498, %get3A_499] {strides = array<i32>} : memref<4x200x64xf32, #tpu.memory_space<vmem>>, vector<1x1x16xf32>,
        %get3A_501 = vector.shape_cast %get3A_500 : vector<1x1x16xf32> to vector<16xf32>
        %add3A_502 = arith.addf %add3A_470, %get3A_501 : vector<16xf32>
        %get3A_503 = arith.constant 1 : i32
        %get3A_504 = arith.index_cast %get3A_503 : i32 to index
        %get3A_505 = arith.index_cast %add3A_488 : i32 to index
        %get3A_506 = arith.constant 32 : index
        %get3A_507 = tpu.vector_load %arg6[%get3A_504, %get3A_505, %get3A_506] {strides = array<i32>} : memref<4x200x64xf32, #tpu.memory_space<vmem>>, vector<1x1x16xf32>,
        %get3A_508 = vector.shape_cast %get3A_507 : vector<1x1x16xf32> to vector<16xf32>
        %add3A_509 = arith.addf %add3A_477, %get3A_508 : vector<16xf32>
        %get3A_510 = arith.constant 1 : i32
        %get3A_511 = arith.index_cast %get3A_510 : i32 to index
        %get3A_512 = arith.index_cast %add3A_488 : i32 to index
        %get3A_513 = arith.constant 48 : index
        %get3A_514 = tpu.vector_load %arg6[%get3A_511, %get3A_512, %get3A_513] {strides = array<i32>} : memref<4x200x64xf32, #tpu.memory_space<vmem>>, vector<1x1x16xf32>,
        %get3A_515 = vector.shape_cast %get3A_514 : vector<1x1x16xf32> to vector<16xf32>
        %add3A_516 = arith.addf %add3A_484, %get3A_515 : vector<16xf32>
        %mul3A_517 = arith.constant 8 : i32
        %mul3A_518 = arith.muli %scan3A_353, %mul3A_517 : i32
        %add3A_519 = arith.constant 5 : i32
        %add3A_520 = arith.addi %mul3A_518, %add3A_519 : i32
        %get3A_521 = arith.constant 1 : i32
        %get3A_522 = arith.index_cast %get3A_521 : i32 to index
        %get3A_523 = arith.index_cast %add3A_520 : i32 to index
        %get3A_524 = arith.constant 0 : index
        %get3A_525 = tpu.vector_load %arg6[%get3A_522, %get3A_523, %get3A_524] {strides = array<i32>} : memref<4x200x64xf32, #tpu.memory_space<vmem>>, vector<1x1x16xf32>,
        %get3A_526 = vector.shape_cast %get3A_525 : vector<1x1x16xf32> to vector<16xf32>
        %add3A_527 = arith.addf %add3A_495, %get3A_526 : vector<16xf32>
        %get3A_528 = arith.constant 1 : i32
        %get3A_529 = arith.index_cast %get3A_528 : i32 to index
        %get3A_530 = arith.index_cast %add3A_520 : i32 to index
        %get3A_531 = arith.constant 16 : index
        %get3A_532 = tpu.vector_load %arg6[%get3A_529, %get3A_530, %get3A_531] {strides = array<i32>} : memref<4x200x64xf32, #tpu.memory_space<vmem>>, vector<1x1x16xf32>,
        %get3A_533 = vector.shape_cast %get3A_532 : vector<1x1x16xf32> to vector<16xf32>
        %add3A_534 = arith.addf %add3A_502, %get3A_533 : vector<16xf32>
        %get3A_535 = arith.constant 1 : i32
        %get3A_536 = arith.index_cast %get3A_535 : i32 to index
        %get3A_537 = arith.index_cast %add3A_520 : i32 to index
        %get3A_538 = arith.constant 32 : index
        %get3A_539 = tpu.vector_load %arg6[%get3A_536, %get3A_537, %get3A_538] {strides = array<i32>} : memref<4x200x64xf32, #tpu.memory_space<vmem>>, vector<1x1x16xf32>,
        %get3A_540 = vector.shape_cast %get3A_539 : vector<1x1x16xf32> to vector<16xf32>
        %add3A_541 = arith.addf %add3A_509, %get3A_540 : vector<16xf32>
        %get3A_542 = arith.constant 1 : i32
        %get3A_543 = arith.index_cast %get3A_542 : i32 to index
        %get3A_544 = arith.index_cast %add3A_520 : i32 to index
        %get3A_545 = arith.constant 48 : index
        %get3A_546 = tpu.vector_load %arg6[%get3A_543, %get3A_544, %get3A_545] {strides = array<i32>} : memref<4x200x64xf32, #tpu.memory_space<vmem>>, vector<1x1x16xf32>,
        %get3A_547 = vector.shape_cast %get3A_546 : vector<1x1x16xf32> to vector<16xf32>
        %add3A_548 = arith.addf %add3A_516, %get3A_547 : vector<16xf32>
        %mul3A_549 = arith.constant 8 : i32
        %mul3A_550 = arith.muli %scan3A_353, %mul3A_549 : i32
        %add3A_551 = arith.constant 6 : i32
        %add3A_552 = arith.addi %mul3A_550, %add3A_551 : i32
        %get3A_553 = arith.constant 1 : i32
        %get3A_554 = arith.index_cast %get3A_553 : i32 to index
        %get3A_555 = arith.index_cast %add3A_552 : i32 to index
        %get3A_556 = arith.constant 0 : index
        %get3A_557 = tpu.vector_load %arg6[%get3A_554, %get3A_555, %get3A_556] {strides = array<i32>} : memref<4x200x64xf32, #tpu.memory_space<vmem>>, vector<1x1x16xf32>,
        %get3A_558 = vector.shape_cast %get3A_557 : vector<1x1x16xf32> to vector<16xf32>
        %add3A_559 = arith.addf %add3A_527, %get3A_558 : vector<16xf32>
        %get3A_560 = arith.constant 1 : i32
        %get3A_561 = arith.index_cast %get3A_560 : i32 to index
        %get3A_562 = arith.index_cast %add3A_552 : i32 to index
        %get3A_563 = arith.constant 16 : index
        %get3A_564 = tpu.vector_load %arg6[%get3A_561, %get3A_562, %get3A_563] {strides = array<i32>} : memref<4x200x64xf32, #tpu.memory_space<vmem>>, vector<1x1x16xf32>,
        %get3A_565 = vector.shape_cast %get3A_564 : vector<1x1x16xf32> to vector<16xf32>
        %add3A_566 = arith.addf %add3A_534, %get3A_565 : vector<16xf32>
        %get3A_567 = arith.constant 1 : i32
        %get3A_568 = arith.index_cast %get3A_567 : i32 to index
        %get3A_569 = arith.index_cast %add3A_552 : i32 to index
        %get3A_570 = arith.constant 32 : index
        %get3A_571 = tpu.vector_load %arg6[%get3A_568, %get3A_569, %get3A_570] {strides = array<i32>} : memref<4x200x64xf32, #tpu.memory_space<vmem>>, vector<1x1x16xf32>,
        %get3A_572 = vector.shape_cast %get3A_571 : vector<1x1x16xf32> to vector<16xf32>
        %add3A_573 = arith.addf %add3A_541, %get3A_572 : vector<16xf32>
        %get3A_574 = arith.constant 1 : i32
        %get3A_575 = arith.index_cast %get3A_574 : i32 to index
        %get3A_576 = arith.index_cast %add3A_552 : i32 to index
        %get3A_577 = arith.constant 48 : index
        %get3A_578 = tpu.vector_load %arg6[%get3A_575, %get3A_576, %get3A_577] {strides = array<i32>} : memref<4x200x64xf32, #tpu.memory_space<vmem>>, vector<1x1x16xf32>,
        %get3A_579 = vector.shape_cast %get3A_578 : vector<1x1x16xf32> to vector<16xf32>
        %add3A_580 = arith.addf %add3A_548, %get3A_579 : vector<16xf32>
        %mul3A_581 = arith.constant 8 : i32
        %mul3A_582 = arith.muli %scan3A_353, %mul3A_581 : i32
        %add3A_583 = arith.constant 7 : i32
        %add3A_584 = arith.addi %mul3A_582, %add3A_583 : i32
        %get3A_585 = arith.constant 1 : i32
        %get3A_586 = arith.index_cast %get3A_585 : i32 to index
        %get3A_587 = arith.index_cast %add3A_584 : i32 to index
        %get3A_588 = arith.constant 0 : index
        %get3A_589 = tpu.vector_load %arg6[%get3A_586, %get3A_587, %get3A_588] {strides = array<i32>} : memref<4x200x64xf32, #tpu.memory_space<vmem>>, vector<1x1x16xf32>,
        %get3A_590 = vector.shape_cast %get3A_589 : vector<1x1x16xf32> to vector<16xf32>
        %add3A_591 = arith.addf %add3A_559, %get3A_590 : vector<16xf32>
        %get3A_592 = arith.constant 1 : i32
        %get3A_593 = arith.index_cast %get3A_592 : i32 to index
        %get3A_594 = arith.index_cast %add3A_584 : i32 to index
        %get3A_595 = arith.constant 16 : index
        %get3A_596 = tpu.vector_load %arg6[%get3A_593, %get3A_594, %get3A_595] {strides = array<i32>} : memref<4x200x64xf32, #tpu.memory_space<vmem>>, vector<1x1x16xf32>,
        %get3A_597 = vector.shape_cast %get3A_596 : vector<1x1x16xf32> to vector<16xf32>
        %add3A_598 = arith.addf %add3A_566, %get3A_597 : vector<16xf32>
        %get3A_599 = arith.constant 1 : i32
        %get3A_600 = arith.index_cast %get3A_599 : i32 to index
        %get3A_601 = arith.index_cast %add3A_584 : i32 to index
        %get3A_602 = arith.constant 32 : index
        %get3A_603 = tpu.vector_load %arg6[%get3A_600, %get3A_601, %get3A_602] {strides = array<i32>} : memref<4x200x64xf32, #tpu.memory_space<vmem>>, vector<1x1x16xf32>,
        %get3A_604 = vector.shape_cast %get3A_603 : vector<1x1x16xf32> to vector<16xf32>
        %add3A_605 = arith.addf %add3A_573, %get3A_604 : vector<16xf32>
        %get3A_606 = arith.constant 1 : i32
        %get3A_607 = arith.index_cast %get3A_606 : i32 to index
        %get3A_608 = arith.index_cast %add3A_584 : i32 to index
        %get3A_609 = arith.constant 48 : index
        %get3A_610 = tpu.vector_load %arg6[%get3A_607, %get3A_608, %get3A_609] {strides = array<i32>} : memref<4x200x64xf32, #tpu.memory_space<vmem>>, vector<1x1x16xf32>,
        %get3A_611 = vector.shape_cast %get3A_610 : vector<1x1x16xf32> to vector<16xf32>
        %add3A_612 = arith.addf %add3A_580, %get3A_611 : vector<16xf32>
        scf.yield %add3A_591, %add3A_598, %add3A_605, %add3A_612 : vector<16xf32>, vector<16xf32>, vector<16xf32>, vector<16xf32>
      }
      %scan3A_210 = arith.constant 25 : i32
      %swap3A_211 = arith.index_cast %add3A_184 : i32 to index
      %swap3A_212 = arith.constant 0 : index
      %swap3A_213 = tpu.vector_load %arg7[%swap3A_211, %swap3A_212] {strides = array<i32>} : memref<128x64xf32, #tpu.memory_space<vmem>>, vector<1x16xf32>,
      %swap3A_214 = vector.shape_cast %swap3A_213 : vector<1x16xf32> to vector<16xf32>
      %swap3A_215 = vector.shape_cast %scan3A_209#0 : vector<16xf32> to vector<1x16xf32>
      tpu.vector_store %arg7[%swap3A_211, %swap3A_212], %swap3A_215 {strides = array<i32>} : memref<128x64xf32, #tpu.memory_space<vmem>>, vector<1x16xf32>,
      %swap3A_216 = arith.index_cast %add3A_184 : i32 to index
      %swap3A_217 = arith.constant 16 : index
      %swap3A_218 = tpu.vector_load %arg7[%swap3A_216, %swap3A_217] {strides = array<i32>} : memref<128x64xf32, #tpu.memory_space<vmem>>, vector<1x16xf32>,
      %swap3A_219 = vector.shape_cast %swap3A_218 : vector<1x16xf32> to vector<16xf32>
      %swap3A_220 = vector.shape_cast %scan3A_209#1 : vector<16xf32> to vector<1x16xf32>
      tpu.vector_store %arg7[%swap3A_216, %swap3A_217], %swap3A_220 {strides = array<i32>} : memref<128x64xf32, #tpu.memory_space<vmem>>, vector<1x16xf32>,
      %swap3A_221 = arith.index_cast %add3A_184 : i32 to index
      %swap3A_222 = arith.constant 32 : index
      %swap3A_223 = tpu.vector_load %arg7[%swap3A_221, %swap3A_222] {strides = array<i32>} : memref<128x64xf32, #tpu.memory_space<vmem>>, vector<1x16xf32>,
      %swap3A_224 = vector.shape_cast %swap3A_223 : vector<1x16xf32> to vector<16xf32>
      %swap3A_225 = vector.shape_cast %scan3A_209#2 : vector<16xf32> to vector<1x16xf32>
      tpu.vector_store %arg7[%swap3A_221, %swap3A_222], %swap3A_225 {strides = array<i32>} : memref<128x64xf32, #tpu.memory_space<vmem>>, vector<1x16xf32>,
      %swap3A_226 = arith.index_cast %add3A_184 : i32 to index
      %swap3A_227 = arith.constant 48 : index
      %swap3A_228 = tpu.vector_load %arg7[%swap3A_226, %swap3A_227] {strides = array<i32>} : memref<128x64xf32, #tpu.memory_space<vmem>>, vector<1x16xf32>,
      %swap3A_229 = vector.shape_cast %swap3A_228 : vector<1x16xf32> to vector<16xf32>
      %swap3A_230 = vector.shape_cast %scan3A_209#3 : vector<16xf32> to vector<1x16xf32>
      tpu.vector_store %arg7[%swap3A_226, %swap3A_227], %swap3A_230 {strides = array<i32>} : memref<128x64xf32, #tpu.memory_space<vmem>>, vector<1x16xf32>,
      %add3A_231 = arith.constant 4 : i32
      %add3A_232 = arith.addi %add3A_184, %add3A_231 : i32
      %lt3A_233 = arith.constant 128 : i32
      %lt3A_234 = arith.cmpi slt, %add3A_232, %lt3A_233 : i32
      %convert_element_type3A_235 = arith.extui %lt3A_234 : i1 to i32
      %cond3A_236 = arith.constant 0 : i32
      %cond3A_237 = arith.cmpi ne, %convert_element_type3A_235, %cond3A_236 : i32
      scf.if %cond3A_237 {
        %add3A_353 = arith.constant 4 : i32
        %add3A_354 = arith.addi %add3A_184, %add3A_353 : i32
        %dma_start3A_355 = arith.constant 1 : i32
        %dma_start3A_356 = arith.constant 1 : i32
        %dma_start3A_357 = arith.constant 0 : i32
        %dma_start3A_358 = arith.constant 0 : i32
        %dma_start3A_359 = tpu.memref_slice %arg6[%dma_start3A_355, %dma_start3A_357, %dma_start3A_358] : memref<4x200x64xf32, #tpu.memory_space<vmem>> -> memref<1x128x64xf32, #tpu.memory_space<vmem>>
        %dma_start3A_360 = tpu.memref_squeeze %dma_start3A_359 : memref<1x128x64xf32, #tpu.memory_space<vmem>> -> memref<128x64xf32, #tpu.memory_space<vmem>>
        %dma_start3A_361 = arith.constant 0 : i32
        %dma_start3A_362 = tpu.memref_slice %arg5[%add3A_354, %dma_start3A_361] : memref<128x200xi32, #tpu.memory_space<vmem>> -> memref<1x128xi32, #tpu.memory_space<vmem>>
        %dma_start3A_363 = tpu.memref_squeeze %dma_start3A_362 : memref<1x128xi32, #tpu.memory_space<vmem>> -> memref<128xi32, #tpu.memory_space<vmem>>
        %dma_start3A_364 = arith.constant 0 : i32
        %dma_start3A_365 = arith.constant 0 : i32
        %dma_start3A_366 = tpu.memref_slice %arg3[%dma_start3A_364, %dma_start3A_365] : memref<1000000x64xf32, #tpu.memory_space<hbm>> -> memref<1000000x64xf32, #tpu.memory_space<hbm>>
        %dma_start3A_367 = tpu.memref_slice %arg8[%dma_start3A_356] : memref<4x!tpu.dma_semaphore, #tpu.memory_space<semaphore_mem>> -> memref<1x!tpu.dma_semaphore, #tpu.memory_space<semaphore_mem>>
        %dma_start3A_368 = tpu.memref_squeeze %dma_start3A_367 : memref<1x!tpu.dma_semaphore, #tpu.memory_space<semaphore_mem>> -> memref<!tpu.dma_semaphore, #tpu.memory_space<semaphore_mem>>
        tpu.enqueue_indirect_dma source(%dma_start3A_366 : memref<1000000x64xf32, #tpu.memory_space<hbm>>) target(%dma_start3A_360 : memref<128x64xf32, #tpu.memory_space<vmem>>) offsets(%dma_start3A_363 : memref<128xi32, #tpu.memory_space<vmem>>) semaphore(%dma_start3A_368 : memref<!tpu.dma_semaphore, #tpu.memory_space<semaphore_mem>>)
        %dma_start3A_369 = arith.constant 1 : i32
        %dma_start3A_370 = arith.constant 1 : i32
        %dma_start3A_371 = arith.constant 128 : i32
        %dma_start3A_372 = arith.constant 0 : i32
        %dma_start3A_373 = tpu.memref_slice %arg6[%dma_start3A_369, %dma_start3A_371, %dma_start3A_372] : memref<4x200x64xf32, #tpu.memory_space<vmem>> -> memref<1x72x64xf32, #tpu.memory_space<vmem>>
        %dma_start3A_374 = tpu.memref_squeeze %dma_start3A_373 : memref<1x72x64xf32, #tpu.memory_space<vmem>> -> memref<72x64xf32, #tpu.memory_space<vmem>>
        %dma_start3A_375 = arith.constant 128 : i32
        %dma_start3A_376 = tpu.memref_slice %arg5[%add3A_354, %dma_start3A_375] : memref<128x200xi32, #tpu.memory_space<vmem>> -> memref<1x72xi32, #tpu.memory_space<vmem>>
        %dma_start3A_377 = tpu.memref_squeeze %dma_start3A_376 : memref<1x72xi32, #tpu.memory_space<vmem>> -> memref<72xi32, #tpu.memory_space<vmem>>
        %dma_start3A_378 = arith.constant 0 : i32
        %dma_start3A_379 = arith.constant 0 : i32
        %dma_start3A_380 = tpu.memref_slice %arg3[%dma_start3A_378, %dma_start3A_379] : memref<1000000x64xf32, #tpu.memory_space<hbm>> -> memref<1000000x64xf32, #tpu.memory_space<hbm>>
        %dma_start3A_381 = tpu.memref_slice %arg8[%dma_start3A_370] : memref<4x!tpu.dma_semaphore, #tpu.memory_space<semaphore_mem>> -> memref<1x!tpu.dma_semaphore, #tpu.memory_space<semaphore_mem>>
        %dma_start3A_382 = tpu.memref_squeeze %dma_start3A_381 : memref<1x!tpu.dma_semaphore, #tpu.memory_space<semaphore_mem>> -> memref<!tpu.dma_semaphore, #tpu.memory_space<semaphore_mem>>
        tpu.enqueue_indirect_dma source(%dma_start3A_380 : memref<1000000x64xf32, #tpu.memory_space<hbm>>) target(%dma_start3A_374 : memref<72x64xf32, #tpu.memory_space<vmem>>) offsets(%dma_start3A_377 : memref<72xi32, #tpu.memory_space<vmem>>) semaphore(%dma_start3A_382 : memref<!tpu.dma_semaphore, #tpu.memory_space<semaphore_mem>>)
      } else {
      }
      %mul3A_238 = arith.constant 4 : i32
      %mul3A_239 = arith.muli %scan3A_128, %mul3A_238 : i32
      %add3A_240 = arith.constant 2 : i32
      %add3A_241 = arith.addi %mul3A_239, %add3A_240 : i32
      %dma_wait3A_242 = arith.constant 2 : i32
      %dma_wait3A_243 = arith.constant 2 : i32
      %dma_wait3A_244 = arith.constant 0 : i32
      %dma_wait3A_245 = arith.constant 0 : i32
      %dma_wait3A_246 = tpu.memref_slice %arg6[%dma_wait3A_242, %dma_wait3A_244, %dma_wait3A_245] : memref<4x200x64xf32, #tpu.memory_space<vmem>> -> memref<1x200x64xf32, #tpu.memory_space<vmem>>
      %dma_wait3A_247 = tpu.memref_squeeze %dma_wait3A_246 : memref<1x200x64xf32, #tpu.memory_space<vmem>> -> memref<200x64xf32, #tpu.memory_space<vmem>>
      %dma_wait3A_248 = arith.constant 0 : i32
      %dma_wait3A_249 = arith.constant 0 : i32
      %dma_wait3A_250 = tpu.memref_slice %arg3[%dma_wait3A_248, %dma_wait3A_249] : memref<1000000x64xf32, #tpu.memory_space<hbm>> -> memref<200x64xf32, #tpu.memory_space<hbm>>
      %dma_wait3A_251 = tpu.memref_slice %arg8[%dma_wait3A_243] : memref<4x!tpu.dma_semaphore, #tpu.memory_space<semaphore_mem>> -> memref<1x!tpu.dma_semaphore, #tpu.memory_space<semaphore_mem>>
      %dma_wait3A_252 = tpu.memref_squeeze %dma_wait3A_251 : memref<1x!tpu.dma_semaphore, #tpu.memory_space<semaphore_mem>> -> memref<!tpu.dma_semaphore, #tpu.memory_space<semaphore_mem>>
      %dma_wait3A_253 = arith.constant 0 : i32
      %dma_wait3A_254 = arith.constant 0 : i32
      %dma_wait3A_255 = tpu.memref_slice %arg6[%dma_wait3A_242, %dma_wait3A_253, %dma_wait3A_254] : memref<4x200x64xf32, #tpu.memory_space<vmem>> -> memref<1x200x64xf32, #tpu.memory_space<vmem>>
      %dma_wait3A_256 = tpu.memref_squeeze %dma_wait3A_255 : memref<1x200x64xf32, #tpu.memory_space<vmem>> -> memref<200x64xf32, #tpu.memory_space<vmem>>
      %dma_wait3A_257 = arith.constant 0 : i32
      %dma_wait3A_258 = arith.constant 0 : i32
      %dma_wait3A_259 = tpu.memref_slice %arg3[%dma_wait3A_257, %dma_wait3A_258] : memref<1000000x64xf32, #tpu.memory_space<hbm>> -> memref<200x64xf32, #tpu.memory_space<hbm>>
      tpu.wait_dma2 semaphore(%dma_wait3A_252 : memref<!tpu.dma_semaphore, #tpu.memory_space<semaphore_mem>>) src(%dma_wait3A_259 : memref<200x64xf32, #tpu.memory_space<hbm>>) dst(%dma_wait3A_256 : memref<200x64xf32, #tpu.memory_space<vmem>>)
      %broadcast_in_dim3A_260 = arith.constant 0.000000e+00 : f32
      %broadcast_in_dim3A_261 = vector.broadcast %broadcast_in_dim3A_260 : f32 to vector<16xf32>
      %scan3A_262 = arith.constant 0 : i32
      %scan3A_263 = arith.constant 25 : i32
      %scan3A_264 = arith.addi %scan3A_262, %scan3A_263 : i32
      %scan3A_265 = arith.constant 1 : i32
      %scan3A_266:4 = scf.for %scan3A_353 = %scan3A_262 to %scan3A_264 step %scan3A_265 iter_args(%scan3A_354 = %broadcast_in_dim3A_261, %scan3A_355 = %broadcast_in_dim3A_261, %scan3A_356 = %broadcast_in_dim3A_261, %scan3A_357 = %broadcast_in_dim3A_261) -> (vector<16xf32>, vector<16xf32>, vector<16xf32>, vector<16xf32>)  : i32 {
        %mul3A_358 = arith.constant 8 : i32
        %mul3A_359 = arith.muli %scan3A_353, %mul3A_358 : i32
        %add3A_360 = arith.constant 0 : i32
        %add3A_361 = arith.addi %mul3A_359, %add3A_360 : i32
        %get3A = arith.constant 2 : i32
        %get3A_362 = arith.index_cast %get3A : i32 to index
        %get3A_363 = arith.index_cast %add3A_361 : i32 to index
        %get3A_364 = arith.constant 0 : index
        %get3A_365 = tpu.vector_load %arg6[%get3A_362, %get3A_363, %get3A_364] {strides = array<i32>} : memref<4x200x64xf32, #tpu.memory_space<vmem>>, vector<1x1x16xf32>,
        %get3A_366 = vector.shape_cast %get3A_365 : vector<1x1x16xf32> to vector<16xf32>
        %add3A_367 = arith.addf %scan3A_354, %get3A_366 : vector<16xf32>
        %get3A_368 = arith.constant 2 : i32
        %get3A_369 = arith.index_cast %get3A_368 : i32 to index
        %get3A_370 = arith.index_cast %add3A_361 : i32 to index
        %get3A_371 = arith.constant 16 : index
        %get3A_372 = tpu.vector_load %arg6[%get3A_369, %get3A_370, %get3A_371] {strides = array<i32>} : memref<4x200x64xf32, #tpu.memory_space<vmem>>, vector<1x1x16xf32>,
        %get3A_373 = vector.shape_cast %get3A_372 : vector<1x1x16xf32> to vector<16xf32>
        %add3A_374 = arith.addf %scan3A_355, %get3A_373 : vector<16xf32>
        %get3A_375 = arith.constant 2 : i32
        %get3A_376 = arith.index_cast %get3A_375 : i32 to index
        %get3A_377 = arith.index_cast %add3A_361 : i32 to index
        %get3A_378 = arith.constant 32 : index
        %get3A_379 = tpu.vector_load %arg6[%get3A_376, %get3A_377, %get3A_378] {strides = array<i32>} : memref<4x200x64xf32, #tpu.memory_space<vmem>>, vector<1x1x16xf32>,
        %get3A_380 = vector.shape_cast %get3A_379 : vector<1x1x16xf32> to vector<16xf32>
        %add3A_381 = arith.addf %scan3A_356, %get3A_380 : vector<16xf32>
        %get3A_382 = arith.constant 2 : i32
        %get3A_383 = arith.index_cast %get3A_382 : i32 to index
        %get3A_384 = arith.index_cast %add3A_361 : i32 to index
        %get3A_385 = arith.constant 48 : index
        %get3A_386 = tpu.vector_load %arg6[%get3A_383, %get3A_384, %get3A_385] {strides = array<i32>} : memref<4x200x64xf32, #tpu.memory_space<vmem>>, vector<1x1x16xf32>,
        %get3A_387 = vector.shape_cast %get3A_386 : vector<1x1x16xf32> to vector<16xf32>
        %add3A_388 = arith.addf %scan3A_357, %get3A_387 : vector<16xf32>
        %mul3A_389 = arith.constant 8 : i32
        %mul3A_390 = arith.muli %scan3A_353, %mul3A_389 : i32
        %add3A_391 = arith.constant 1 : i32
        %add3A_392 = arith.addi %mul3A_390, %add3A_391 : i32
        %get3A_393 = arith.constant 2 : i32
        %get3A_394 = arith.index_cast %get3A_393 : i32 to index
        %get3A_395 = arith.index_cast %add3A_392 : i32 to index
        %get3A_396 = arith.constant 0 : index
        %get3A_397 = tpu.vector_load %arg6[%get3A_394, %get3A_395, %get3A_396] {strides = array<i32>} : memref<4x200x64xf32, #tpu.memory_space<vmem>>, vector<1x1x16xf32>,
        %get3A_398 = vector.shape_cast %get3A_397 : vector<1x1x16xf32> to vector<16xf32>
        %add3A_399 = arith.addf %add3A_367, %get3A_398 : vector<16xf32>
        %get3A_400 = arith.constant 2 : i32
        %get3A_401 = arith.index_cast %get3A_400 : i32 to index
        %get3A_402 = arith.index_cast %add3A_392 : i32 to index
        %get3A_403 = arith.constant 16 : index
        %get3A_404 = tpu.vector_load %arg6[%get3A_401, %get3A_402, %get3A_403] {strides = array<i32>} : memref<4x200x64xf32, #tpu.memory_space<vmem>>, vector<1x1x16xf32>,
        %get3A_405 = vector.shape_cast %get3A_404 : vector<1x1x16xf32> to vector<16xf32>
        %add3A_406 = arith.addf %add3A_374, %get3A_405 : vector<16xf32>
        %get3A_407 = arith.constant 2 : i32
        %get3A_408 = arith.index_cast %get3A_407 : i32 to index
        %get3A_409 = arith.index_cast %add3A_392 : i32 to index
        %get3A_410 = arith.constant 32 : index
        %get3A_411 = tpu.vector_load %arg6[%get3A_408, %get3A_409, %get3A_410] {strides = array<i32>} : memref<4x200x64xf32, #tpu.memory_space<vmem>>, vector<1x1x16xf32>,
        %get3A_412 = vector.shape_cast %get3A_411 : vector<1x1x16xf32> to vector<16xf32>
        %add3A_413 = arith.addf %add3A_381, %get3A_412 : vector<16xf32>
        %get3A_414 = arith.constant 2 : i32
        %get3A_415 = arith.index_cast %get3A_414 : i32 to index
        %get3A_416 = arith.index_cast %add3A_392 : i32 to index
        %get3A_417 = arith.constant 48 : index
        %get3A_418 = tpu.vector_load %arg6[%get3A_415, %get3A_416, %get3A_417] {strides = array<i32>} : memref<4x200x64xf32, #tpu.memory_space<vmem>>, vector<1x1x16xf32>,
        %get3A_419 = vector.shape_cast %get3A_418 : vector<1x1x16xf32> to vector<16xf32>
        %add3A_420 = arith.addf %add3A_388, %get3A_419 : vector<16xf32>
        %mul3A_421 = arith.constant 8 : i32
        %mul3A_422 = arith.muli %scan3A_353, %mul3A_421 : i32
        %add3A_423 = arith.constant 2 : i32
        %add3A_424 = arith.addi %mul3A_422, %add3A_423 : i32
        %get3A_425 = arith.constant 2 : i32
        %get3A_426 = arith.index_cast %get3A_425 : i32 to index
        %get3A_427 = arith.index_cast %add3A_424 : i32 to index
        %get3A_428 = arith.constant 0 : index
        %get3A_429 = tpu.vector_load %arg6[%get3A_426, %get3A_427, %get3A_428] {strides = array<i32>} : memref<4x200x64xf32, #tpu.memory_space<vmem>>, vector<1x1x16xf32>,
        %get3A_430 = vector.shape_cast %get3A_429 : vector<1x1x16xf32> to vector<16xf32>
        %add3A_431 = arith.addf %add3A_399, %get3A_430 : vector<16xf32>
        %get3A_432 = arith.constant 2 : i32
        %get3A_433 = arith.index_cast %get3A_432 : i32 to index
        %get3A_434 = arith.index_cast %add3A_424 : i32 to index
        %get3A_435 = arith.constant 16 : index
        %get3A_436 = tpu.vector_load %arg6[%get3A_433, %get3A_434, %get3A_435] {strides = array<i32>} : memref<4x200x64xf32, #tpu.memory_space<vmem>>, vector<1x1x16xf32>,
        %get3A_437 = vector.shape_cast %get3A_436 : vector<1x1x16xf32> to vector<16xf32>
        %add3A_438 = arith.addf %add3A_406, %get3A_437 : vector<16xf32>
        %get3A_439 = arith.constant 2 : i32
        %get3A_440 = arith.index_cast %get3A_439 : i32 to index
        %get3A_441 = arith.index_cast %add3A_424 : i32 to index
        %get3A_442 = arith.constant 32 : index
        %get3A_443 = tpu.vector_load %arg6[%get3A_440, %get3A_441, %get3A_442] {strides = array<i32>} : memref<4x200x64xf32, #tpu.memory_space<vmem>>, vector<1x1x16xf32>,
        %get3A_444 = vector.shape_cast %get3A_443 : vector<1x1x16xf32> to vector<16xf32>
        %add3A_445 = arith.addf %add3A_413, %get3A_444 : vector<16xf32>
        %get3A_446 = arith.constant 2 : i32
        %get3A_447 = arith.index_cast %get3A_446 : i32 to index
        %get3A_448 = arith.index_cast %add3A_424 : i32 to index
        %get3A_449 = arith.constant 48 : index
        %get3A_450 = tpu.vector_load %arg6[%get3A_447, %get3A_448, %get3A_449] {strides = array<i32>} : memref<4x200x64xf32, #tpu.memory_space<vmem>>, vector<1x1x16xf32>,
        %get3A_451 = vector.shape_cast %get3A_450 : vector<1x1x16xf32> to vector<16xf32>
        %add3A_452 = arith.addf %add3A_420, %get3A_451 : vector<16xf32>
        %mul3A_453 = arith.constant 8 : i32
        %mul3A_454 = arith.muli %scan3A_353, %mul3A_453 : i32
        %add3A_455 = arith.constant 3 : i32
        %add3A_456 = arith.addi %mul3A_454, %add3A_455 : i32
        %get3A_457 = arith.constant 2 : i32
        %get3A_458 = arith.index_cast %get3A_457 : i32 to index
        %get3A_459 = arith.index_cast %add3A_456 : i32 to index
        %get3A_460 = arith.constant 0 : index
        %get3A_461 = tpu.vector_load %arg6[%get3A_458, %get3A_459, %get3A_460] {strides = array<i32>} : memref<4x200x64xf32, #tpu.memory_space<vmem>>, vector<1x1x16xf32>,
        %get3A_462 = vector.shape_cast %get3A_461 : vector<1x1x16xf32> to vector<16xf32>
        %add3A_463 = arith.addf %add3A_431, %get3A_462 : vector<16xf32>
        %get3A_464 = arith.constant 2 : i32
        %get3A_465 = arith.index_cast %get3A_464 : i32 to index
        %get3A_466 = arith.index_cast %add3A_456 : i32 to index
        %get3A_467 = arith.constant 16 : index
        %get3A_468 = tpu.vector_load %arg6[%get3A_465, %get3A_466, %get3A_467] {strides = array<i32>} : memref<4x200x64xf32, #tpu.memory_space<vmem>>, vector<1x1x16xf32>,
        %get3A_469 = vector.shape_cast %get3A_468 : vector<1x1x16xf32> to vector<16xf32>
        %add3A_470 = arith.addf %add3A_438, %get3A_469 : vector<16xf32>
        %get3A_471 = arith.constant 2 : i32
        %get3A_472 = arith.index_cast %get3A_471 : i32 to index
        %get3A_473 = arith.index_cast %add3A_456 : i32 to index
        %get3A_474 = arith.constant 32 : index
        %get3A_475 = tpu.vector_load %arg6[%get3A_472, %get3A_473, %get3A_474] {strides = array<i32>} : memref<4x200x64xf32, #tpu.memory_space<vmem>>, vector<1x1x16xf32>,
        %get3A_476 = vector.shape_cast %get3A_475 : vector<1x1x16xf32> to vector<16xf32>
        %add3A_477 = arith.addf %add3A_445, %get3A_476 : vector<16xf32>
        %get3A_478 = arith.constant 2 : i32
        %get3A_479 = arith.index_cast %get3A_478 : i32 to index
        %get3A_480 = arith.index_cast %add3A_456 : i32 to index
        %get3A_481 = arith.constant 48 : index
        %get3A_482 = tpu.vector_load %arg6[%get3A_479, %get3A_480, %get3A_481] {strides = array<i32>} : memref<4x200x64xf32, #tpu.memory_space<vmem>>, vector<1x1x16xf32>,
        %get3A_483 = vector.shape_cast %get3A_482 : vector<1x1x16xf32> to vector<16xf32>
        %add3A_484 = arith.addf %add3A_452, %get3A_483 : vector<16xf32>
        %mul3A_485 = arith.constant 8 : i32
        %mul3A_486 = arith.muli %scan3A_353, %mul3A_485 : i32
        %add3A_487 = arith.constant 4 : i32
        %add3A_488 = arith.addi %mul3A_486, %add3A_487 : i32
        %get3A_489 = arith.constant 2 : i32
        %get3A_490 = arith.index_cast %get3A_489 : i32 to index
        %get3A_491 = arith.index_cast %add3A_488 : i32 to index
        %get3A_492 = arith.constant 0 : index
        %get3A_493 = tpu.vector_load %arg6[%get3A_490, %get3A_491, %get3A_492] {strides = array<i32>} : memref<4x200x64xf32, #tpu.memory_space<vmem>>, vector<1x1x16xf32>,
        %get3A_494 = vector.shape_cast %get3A_493 : vector<1x1x16xf32> to vector<16xf32>
        %add3A_495 = arith.addf %add3A_463, %get3A_494 : vector<16xf32>
        %get3A_496 = arith.constant 2 : i32
        %get3A_497 = arith.index_cast %get3A_496 : i32 to index
        %get3A_498 = arith.index_cast %add3A_488 : i32 to index
        %get3A_499 = arith.constant 16 : index
        %get3A_500 = tpu.vector_load %arg6[%get3A_497, %get3A_498, %get3A_499] {strides = array<i32>} : memref<4x200x64xf32, #tpu.memory_space<vmem>>, vector<1x1x16xf32>,
        %get3A_501 = vector.shape_cast %get3A_500 : vector<1x1x16xf32> to vector<16xf32>
        %add3A_502 = arith.addf %add3A_470, %get3A_501 : vector<16xf32>
        %get3A_503 = arith.constant 2 : i32
        %get3A_504 = arith.index_cast %get3A_503 : i32 to index
        %get3A_505 = arith.index_cast %add3A_488 : i32 to index
        %get3A_506 = arith.constant 32 : index
        %get3A_507 = tpu.vector_load %arg6[%get3A_504, %get3A_505, %get3A_506] {strides = array<i32>} : memref<4x200x64xf32, #tpu.memory_space<vmem>>, vector<1x1x16xf32>,
        %get3A_508 = vector.shape_cast %get3A_507 : vector<1x1x16xf32> to vector<16xf32>
        %add3A_509 = arith.addf %add3A_477, %get3A_508 : vector<16xf32>
        %get3A_510 = arith.constant 2 : i32
        %get3A_511 = arith.index_cast %get3A_510 : i32 to index
        %get3A_512 = arith.index_cast %add3A_488 : i32 to index
        %get3A_513 = arith.constant 48 : index
        %get3A_514 = tpu.vector_load %arg6[%get3A_511, %get3A_512, %get3A_513] {strides = array<i32>} : memref<4x200x64xf32, #tpu.memory_space<vmem>>, vector<1x1x16xf32>,
        %get3A_515 = vector.shape_cast %get3A_514 : vector<1x1x16xf32> to vector<16xf32>
        %add3A_516 = arith.addf %add3A_484, %get3A_515 : vector<16xf32>
        %mul3A_517 = arith.constant 8 : i32
        %mul3A_518 = arith.muli %scan3A_353, %mul3A_517 : i32
        %add3A_519 = arith.constant 5 : i32
        %add3A_520 = arith.addi %mul3A_518, %add3A_519 : i32
        %get3A_521 = arith.constant 2 : i32
        %get3A_522 = arith.index_cast %get3A_521 : i32 to index
        %get3A_523 = arith.index_cast %add3A_520 : i32 to index
        %get3A_524 = arith.constant 0 : index
        %get3A_525 = tpu.vector_load %arg6[%get3A_522, %get3A_523, %get3A_524] {strides = array<i32>} : memref<4x200x64xf32, #tpu.memory_space<vmem>>, vector<1x1x16xf32>,
        %get3A_526 = vector.shape_cast %get3A_525 : vector<1x1x16xf32> to vector<16xf32>
        %add3A_527 = arith.addf %add3A_495, %get3A_526 : vector<16xf32>
        %get3A_528 = arith.constant 2 : i32
        %get3A_529 = arith.index_cast %get3A_528 : i32 to index
        %get3A_530 = arith.index_cast %add3A_520 : i32 to index
        %get3A_531 = arith.constant 16 : index
        %get3A_532 = tpu.vector_load %arg6[%get3A_529, %get3A_530, %get3A_531] {strides = array<i32>} : memref<4x200x64xf32, #tpu.memory_space<vmem>>, vector<1x1x16xf32>,
        %get3A_533 = vector.shape_cast %get3A_532 : vector<1x1x16xf32> to vector<16xf32>
        %add3A_534 = arith.addf %add3A_502, %get3A_533 : vector<16xf32>
        %get3A_535 = arith.constant 2 : i32
        %get3A_536 = arith.index_cast %get3A_535 : i32 to index
        %get3A_537 = arith.index_cast %add3A_520 : i32 to index
        %get3A_538 = arith.constant 32 : index
        %get3A_539 = tpu.vector_load %arg6[%get3A_536, %get3A_537, %get3A_538] {strides = array<i32>} : memref<4x200x64xf32, #tpu.memory_space<vmem>>, vector<1x1x16xf32>,
        %get3A_540 = vector.shape_cast %get3A_539 : vector<1x1x16xf32> to vector<16xf32>
        %add3A_541 = arith.addf %add3A_509, %get3A_540 : vector<16xf32>
        %get3A_542 = arith.constant 2 : i32
        %get3A_543 = arith.index_cast %get3A_542 : i32 to index
        %get3A_544 = arith.index_cast %add3A_520 : i32 to index
        %get3A_545 = arith.constant 48 : index
        %get3A_546 = tpu.vector_load %arg6[%get3A_543, %get3A_544, %get3A_545] {strides = array<i32>} : memref<4x200x64xf32, #tpu.memory_space<vmem>>, vector<1x1x16xf32>,
        %get3A_547 = vector.shape_cast %get3A_546 : vector<1x1x16xf32> to vector<16xf32>
        %add3A_548 = arith.addf %add3A_516, %get3A_547 : vector<16xf32>
        %mul3A_549 = arith.constant 8 : i32
        %mul3A_550 = arith.muli %scan3A_353, %mul3A_549 : i32
        %add3A_551 = arith.constant 6 : i32
        %add3A_552 = arith.addi %mul3A_550, %add3A_551 : i32
        %get3A_553 = arith.constant 2 : i32
        %get3A_554 = arith.index_cast %get3A_553 : i32 to index
        %get3A_555 = arith.index_cast %add3A_552 : i32 to index
        %get3A_556 = arith.constant 0 : index
        %get3A_557 = tpu.vector_load %arg6[%get3A_554, %get3A_555, %get3A_556] {strides = array<i32>} : memref<4x200x64xf32, #tpu.memory_space<vmem>>, vector<1x1x16xf32>,
        %get3A_558 = vector.shape_cast %get3A_557 : vector<1x1x16xf32> to vector<16xf32>
        %add3A_559 = arith.addf %add3A_527, %get3A_558 : vector<16xf32>
        %get3A_560 = arith.constant 2 : i32
        %get3A_561 = arith.index_cast %get3A_560 : i32 to index
        %get3A_562 = arith.index_cast %add3A_552 : i32 to index
        %get3A_563 = arith.constant 16 : index
        %get3A_564 = tpu.vector_load %arg6[%get3A_561, %get3A_562, %get3A_563] {strides = array<i32>} : memref<4x200x64xf32, #tpu.memory_space<vmem>>, vector<1x1x16xf32>,
        %get3A_565 = vector.shape_cast %get3A_564 : vector<1x1x16xf32> to vector<16xf32>
        %add3A_566 = arith.addf %add3A_534, %get3A_565 : vector<16xf32>
        %get3A_567 = arith.constant 2 : i32
        %get3A_568 = arith.index_cast %get3A_567 : i32 to index
        %get3A_569 = arith.index_cast %add3A_552 : i32 to index
        %get3A_570 = arith.constant 32 : index
        %get3A_571 = tpu.vector_load %arg6[%get3A_568, %get3A_569, %get3A_570] {strides = array<i32>} : memref<4x200x64xf32, #tpu.memory_space<vmem>>, vector<1x1x16xf32>,
        %get3A_572 = vector.shape_cast %get3A_571 : vector<1x1x16xf32> to vector<16xf32>
        %add3A_573 = arith.addf %add3A_541, %get3A_572 : vector<16xf32>
        %get3A_574 = arith.constant 2 : i32
        %get3A_575 = arith.index_cast %get3A_574 : i32 to index
        %get3A_576 = arith.index_cast %add3A_552 : i32 to index
        %get3A_577 = arith.constant 48 : index
        %get3A_578 = tpu.vector_load %arg6[%get3A_575, %get3A_576, %get3A_577] {strides = array<i32>} : memref<4x200x64xf32, #tpu.memory_space<vmem>>, vector<1x1x16xf32>,
        %get3A_579 = vector.shape_cast %get3A_578 : vector<1x1x16xf32> to vector<16xf32>
        %add3A_580 = arith.addf %add3A_548, %get3A_579 : vector<16xf32>
        %mul3A_581 = arith.constant 8 : i32
        %mul3A_582 = arith.muli %scan3A_353, %mul3A_581 : i32
        %add3A_583 = arith.constant 7 : i32
        %add3A_584 = arith.addi %mul3A_582, %add3A_583 : i32
        %get3A_585 = arith.constant 2 : i32
        %get3A_586 = arith.index_cast %get3A_585 : i32 to index
        %get3A_587 = arith.index_cast %add3A_584 : i32 to index
        %get3A_588 = arith.constant 0 : index
        %get3A_589 = tpu.vector_load %arg6[%get3A_586, %get3A_587, %get3A_588] {strides = array<i32>} : memref<4x200x64xf32, #tpu.memory_space<vmem>>, vector<1x1x16xf32>,
        %get3A_590 = vector.shape_cast %get3A_589 : vector<1x1x16xf32> to vector<16xf32>
        %add3A_591 = arith.addf %add3A_559, %get3A_590 : vector<16xf32>
        %get3A_592 = arith.constant 2 : i32
        %get3A_593 = arith.index_cast %get3A_592 : i32 to index
        %get3A_594 = arith.index_cast %add3A_584 : i32 to index
        %get3A_595 = arith.constant 16 : index
        %get3A_596 = tpu.vector_load %arg6[%get3A_593, %get3A_594, %get3A_595] {strides = array<i32>} : memref<4x200x64xf32, #tpu.memory_space<vmem>>, vector<1x1x16xf32>,
        %get3A_597 = vector.shape_cast %get3A_596 : vector<1x1x16xf32> to vector<16xf32>
        %add3A_598 = arith.addf %add3A_566, %get3A_597 : vector<16xf32>
        %get3A_599 = arith.constant 2 : i32
        %get3A_600 = arith.index_cast %get3A_599 : i32 to index
        %get3A_601 = arith.index_cast %add3A_584 : i32 to index
        %get3A_602 = arith.constant 32 : index
        %get3A_603 = tpu.vector_load %arg6[%get3A_600, %get3A_601, %get3A_602] {strides = array<i32>} : memref<4x200x64xf32, #tpu.memory_space<vmem>>, vector<1x1x16xf32>,
        %get3A_604 = vector.shape_cast %get3A_603 : vector<1x1x16xf32> to vector<16xf32>
        %add3A_605 = arith.addf %add3A_573, %get3A_604 : vector<16xf32>
        %get3A_606 = arith.constant 2 : i32
        %get3A_607 = arith.index_cast %get3A_606 : i32 to index
        %get3A_608 = arith.index_cast %add3A_584 : i32 to index
        %get3A_609 = arith.constant 48 : index
        %get3A_610 = tpu.vector_load %arg6[%get3A_607, %get3A_608, %get3A_609] {strides = array<i32>} : memref<4x200x64xf32, #tpu.memory_space<vmem>>, vector<1x1x16xf32>,
        %get3A_611 = vector.shape_cast %get3A_610 : vector<1x1x16xf32> to vector<16xf32>
        %add3A_612 = arith.addf %add3A_580, %get3A_611 : vector<16xf32>
        scf.yield %add3A_591, %add3A_598, %add3A_605, %add3A_612 : vector<16xf32>, vector<16xf32>, vector<16xf32>, vector<16xf32>
      }
      %scan3A_267 = arith.constant 25 : i32
      %swap3A_268 = arith.index_cast %add3A_241 : i32 to index
      %swap3A_269 = arith.constant 0 : index
      %swap3A_270 = tpu.vector_load %arg7[%swap3A_268, %swap3A_269] {strides = array<i32>} : memref<128x64xf32, #tpu.memory_space<vmem>>, vector<1x16xf32>,
      %swap3A_271 = vector.shape_cast %swap3A_270 : vector<1x16xf32> to vector<16xf32>
      %swap3A_272 = vector.shape_cast %scan3A_266#0 : vector<16xf32> to vector<1x16xf32>
      tpu.vector_store %arg7[%swap3A_268, %swap3A_269], %swap3A_272 {strides = array<i32>} : memref<128x64xf32, #tpu.memory_space<vmem>>, vector<1x16xf32>,
      %swap3A_273 = arith.index_cast %add3A_241 : i32 to index
      %swap3A_274 = arith.constant 16 : index
      %swap3A_275 = tpu.vector_load %arg7[%swap3A_273, %swap3A_274] {strides = array<i32>} : memref<128x64xf32, #tpu.memory_space<vmem>>, vector<1x16xf32>,
      %swap3A_276 = vector.shape_cast %swap3A_275 : vector<1x16xf32> to vector<16xf32>
      %swap3A_277 = vector.shape_cast %scan3A_266#1 : vector<16xf32> to vector<1x16xf32>
      tpu.vector_store %arg7[%swap3A_273, %swap3A_274], %swap3A_277 {strides = array<i32>} : memref<128x64xf32, #tpu.memory_space<vmem>>, vector<1x16xf32>,
      %swap3A_278 = arith.index_cast %add3A_241 : i32 to index
      %swap3A_279 = arith.constant 32 : index
      %swap3A_280 = tpu.vector_load %arg7[%swap3A_278, %swap3A_279] {strides = array<i32>} : memref<128x64xf32, #tpu.memory_space<vmem>>, vector<1x16xf32>,
      %swap3A_281 = vector.shape_cast %swap3A_280 : vector<1x16xf32> to vector<16xf32>
      %swap3A_282 = vector.shape_cast %scan3A_266#2 : vector<16xf32> to vector<1x16xf32>
      tpu.vector_store %arg7[%swap3A_278, %swap3A_279], %swap3A_282 {strides = array<i32>} : memref<128x64xf32, #tpu.memory_space<vmem>>, vector<1x16xf32>,
      %swap3A_283 = arith.index_cast %add3A_241 : i32 to index
      %swap3A_284 = arith.constant 48 : index
      %swap3A_285 = tpu.vector_load %arg7[%swap3A_283, %swap3A_284] {strides = array<i32>} : memref<128x64xf32, #tpu.memory_space<vmem>>, vector<1x16xf32>,
      %swap3A_286 = vector.shape_cast %swap3A_285 : vector<1x16xf32> to vector<16xf32>
      %swap3A_287 = vector.shape_cast %scan3A_266#3 : vector<16xf32> to vector<1x16xf32>
      tpu.vector_store %arg7[%swap3A_283, %swap3A_284], %swap3A_287 {strides = array<i32>} : memref<128x64xf32, #tpu.memory_space<vmem>>, vector<1x16xf32>,
      %add3A_288 = arith.constant 4 : i32
      %add3A_289 = arith.addi %add3A_241, %add3A_288 : i32
      %lt3A_290 = arith.constant 128 : i32
      %lt3A_291 = arith.cmpi slt, %add3A_289, %lt3A_290 : i32
      %convert_element_type3A_292 = arith.extui %lt3A_291 : i1 to i32
      %cond3A_293 = arith.constant 0 : i32
      %cond3A_294 = arith.cmpi ne, %convert_element_type3A_292, %cond3A_293 : i32
      scf.if %cond3A_294 {
        %add3A_353 = arith.constant 4 : i32
        %add3A_354 = arith.addi %add3A_241, %add3A_353 : i32
        %dma_start3A_355 = arith.constant 2 : i32
        %dma_start3A_356 = arith.constant 2 : i32
        %dma_start3A_357 = arith.constant 0 : i32
        %dma_start3A_358 = arith.constant 0 : i32
        %dma_start3A_359 = tpu.memref_slice %arg6[%dma_start3A_355, %dma_start3A_357, %dma_start3A_358] : memref<4x200x64xf32, #tpu.memory_space<vmem>> -> memref<1x128x64xf32, #tpu.memory_space<vmem>>
        %dma_start3A_360 = tpu.memref_squeeze %dma_start3A_359 : memref<1x128x64xf32, #tpu.memory_space<vmem>> -> memref<128x64xf32, #tpu.memory_space<vmem>>
        %dma_start3A_361 = arith.constant 0 : i32
        %dma_start3A_362 = tpu.memref_slice %arg5[%add3A_354, %dma_start3A_361] : memref<128x200xi32, #tpu.memory_space<vmem>> -> memref<1x128xi32, #tpu.memory_space<vmem>>
        %dma_start3A_363 = tpu.memref_squeeze %dma_start3A_362 : memref<1x128xi32, #tpu.memory_space<vmem>> -> memref<128xi32, #tpu.memory_space<vmem>>
        %dma_start3A_364 = arith.constant 0 : i32
        %dma_start3A_365 = arith.constant 0 : i32
        %dma_start3A_366 = tpu.memref_slice %arg3[%dma_start3A_364, %dma_start3A_365] : memref<1000000x64xf32, #tpu.memory_space<hbm>> -> memref<1000000x64xf32, #tpu.memory_space<hbm>>
        %dma_start3A_367 = tpu.memref_slice %arg8[%dma_start3A_356] : memref<4x!tpu.dma_semaphore, #tpu.memory_space<semaphore_mem>> -> memref<1x!tpu.dma_semaphore, #tpu.memory_space<semaphore_mem>>
        %dma_start3A_368 = tpu.memref_squeeze %dma_start3A_367 : memref<1x!tpu.dma_semaphore, #tpu.memory_space<semaphore_mem>> -> memref<!tpu.dma_semaphore, #tpu.memory_space<semaphore_mem>>
        tpu.enqueue_indirect_dma source(%dma_start3A_366 : memref<1000000x64xf32, #tpu.memory_space<hbm>>) target(%dma_start3A_360 : memref<128x64xf32, #tpu.memory_space<vmem>>) offsets(%dma_start3A_363 : memref<128xi32, #tpu.memory_space<vmem>>) semaphore(%dma_start3A_368 : memref<!tpu.dma_semaphore, #tpu.memory_space<semaphore_mem>>)
        %dma_start3A_369 = arith.constant 2 : i32
        %dma_start3A_370 = arith.constant 2 : i32
        %dma_start3A_371 = arith.constant 128 : i32
        %dma_start3A_372 = arith.constant 0 : i32
        %dma_start3A_373 = tpu.memref_slice %arg6[%dma_start3A_369, %dma_start3A_371, %dma_start3A_372] : memref<4x200x64xf32, #tpu.memory_space<vmem>> -> memref<1x72x64xf32, #tpu.memory_space<vmem>>
        %dma_start3A_374 = tpu.memref_squeeze %dma_start3A_373 : memref<1x72x64xf32, #tpu.memory_space<vmem>> -> memref<72x64xf32, #tpu.memory_space<vmem>>
        %dma_start3A_375 = arith.constant 128 : i32
        %dma_start3A_376 = tpu.memref_slice %arg5[%add3A_354, %dma_start3A_375] : memref<128x200xi32, #tpu.memory_space<vmem>> -> memref<1x72xi32, #tpu.memory_space<vmem>>
        %dma_start3A_377 = tpu.memref_squeeze %dma_start3A_376 : memref<1x72xi32, #tpu.memory_space<vmem>> -> memref<72xi32, #tpu.memory_space<vmem>>
        %dma_start3A_378 = arith.constant 0 : i32
        %dma_start3A_379 = arith.constant 0 : i32
        %dma_start3A_380 = tpu.memref_slice %arg3[%dma_start3A_378, %dma_start3A_379] : memref<1000000x64xf32, #tpu.memory_space<hbm>> -> memref<1000000x64xf32, #tpu.memory_space<hbm>>
        %dma_start3A_381 = tpu.memref_slice %arg8[%dma_start3A_370] : memref<4x!tpu.dma_semaphore, #tpu.memory_space<semaphore_mem>> -> memref<1x!tpu.dma_semaphore, #tpu.memory_space<semaphore_mem>>
        %dma_start3A_382 = tpu.memref_squeeze %dma_start3A_381 : memref<1x!tpu.dma_semaphore, #tpu.memory_space<semaphore_mem>> -> memref<!tpu.dma_semaphore, #tpu.memory_space<semaphore_mem>>
        tpu.enqueue_indirect_dma source(%dma_start3A_380 : memref<1000000x64xf32, #tpu.memory_space<hbm>>) target(%dma_start3A_374 : memref<72x64xf32, #tpu.memory_space<vmem>>) offsets(%dma_start3A_377 : memref<72xi32, #tpu.memory_space<vmem>>) semaphore(%dma_start3A_382 : memref<!tpu.dma_semaphore, #tpu.memory_space<semaphore_mem>>)
      } else {
      }
      %mul3A_295 = arith.constant 4 : i32
      %mul3A_296 = arith.muli %scan3A_128, %mul3A_295 : i32
      %add3A_297 = arith.constant 3 : i32
      %add3A_298 = arith.addi %mul3A_296, %add3A_297 : i32
      %dma_wait3A_299 = arith.constant 3 : i32
      %dma_wait3A_300 = arith.constant 3 : i32
      %dma_wait3A_301 = arith.constant 0 : i32
      %dma_wait3A_302 = arith.constant 0 : i32
      %dma_wait3A_303 = tpu.memref_slice %arg6[%dma_wait3A_299, %dma_wait3A_301, %dma_wait3A_302] : memref<4x200x64xf32, #tpu.memory_space<vmem>> -> memref<1x200x64xf32, #tpu.memory_space<vmem>>
      %dma_wait3A_304 = tpu.memref_squeeze %dma_wait3A_303 : memref<1x200x64xf32, #tpu.memory_space<vmem>> -> memref<200x64xf32, #tpu.memory_space<vmem>>
      %dma_wait3A_305 = arith.constant 0 : i32
      %dma_wait3A_306 = arith.constant 0 : i32
      %dma_wait3A_307 = tpu.memref_slice %arg3[%dma_wait3A_305, %dma_wait3A_306] : memref<1000000x64xf32, #tpu.memory_space<hbm>> -> memref<200x64xf32, #tpu.memory_space<hbm>>
      %dma_wait3A_308 = tpu.memref_slice %arg8[%dma_wait3A_300] : memref<4x!tpu.dma_semaphore, #tpu.memory_space<semaphore_mem>> -> memref<1x!tpu.dma_semaphore, #tpu.memory_space<semaphore_mem>>
      %dma_wait3A_309 = tpu.memref_squeeze %dma_wait3A_308 : memref<1x!tpu.dma_semaphore, #tpu.memory_space<semaphore_mem>> -> memref<!tpu.dma_semaphore, #tpu.memory_space<semaphore_mem>>
      %dma_wait3A_310 = arith.constant 0 : i32
      %dma_wait3A_311 = arith.constant 0 : i32
      %dma_wait3A_312 = tpu.memref_slice %arg6[%dma_wait3A_299, %dma_wait3A_310, %dma_wait3A_311] : memref<4x200x64xf32, #tpu.memory_space<vmem>> -> memref<1x200x64xf32, #tpu.memory_space<vmem>>
      %dma_wait3A_313 = tpu.memref_squeeze %dma_wait3A_312 : memref<1x200x64xf32, #tpu.memory_space<vmem>> -> memref<200x64xf32, #tpu.memory_space<vmem>>
      %dma_wait3A_314 = arith.constant 0 : i32
      %dma_wait3A_315 = arith.constant 0 : i32
      %dma_wait3A_316 = tpu.memref_slice %arg3[%dma_wait3A_314, %dma_wait3A_315] : memref<1000000x64xf32, #tpu.memory_space<hbm>> -> memref<200x64xf32, #tpu.memory_space<hbm>>
      tpu.wait_dma2 semaphore(%dma_wait3A_309 : memref<!tpu.dma_semaphore, #tpu.memory_space<semaphore_mem>>) src(%dma_wait3A_316 : memref<200x64xf32, #tpu.memory_space<hbm>>) dst(%dma_wait3A_313 : memref<200x64xf32, #tpu.memory_space<vmem>>)
      %broadcast_in_dim3A_317 = arith.constant 0.000000e+00 : f32
      %broadcast_in_dim3A_318 = vector.broadcast %broadcast_in_dim3A_317 : f32 to vector<16xf32>
      %scan3A_319 = arith.constant 0 : i32
      %scan3A_320 = arith.constant 25 : i32
      %scan3A_321 = arith.addi %scan3A_319, %scan3A_320 : i32
      %scan3A_322 = arith.constant 1 : i32
      %scan3A_323:4 = scf.for %scan3A_353 = %scan3A_319 to %scan3A_321 step %scan3A_322 iter_args(%scan3A_354 = %broadcast_in_dim3A_318, %scan3A_355 = %broadcast_in_dim3A_318, %scan3A_356 = %broadcast_in_dim3A_318, %scan3A_357 = %broadcast_in_dim3A_318) -> (vector<16xf32>, vector<16xf32>, vector<16xf32>, vector<16xf32>)  : i32 {
        %mul3A_358 = arith.constant 8 : i32
        %mul3A_359 = arith.muli %scan3A_353, %mul3A_358 : i32
        %add3A_360 = arith.constant 0 : i32
        %add3A_361 = arith.addi %mul3A_359, %add3A_360 : i32
        %get3A = arith.constant 3 : i32
        %get3A_362 = arith.index_cast %get3A : i32 to index
        %get3A_363 = arith.index_cast %add3A_361 : i32 to index
        %get3A_364 = arith.constant 0 : index
        %get3A_365 = tpu.vector_load %arg6[%get3A_362, %get3A_363, %get3A_364] {strides = array<i32>} : memref<4x200x64xf32, #tpu.memory_space<vmem>>, vector<1x1x16xf32>,
        %get3A_366 = vector.shape_cast %get3A_365 : vector<1x1x16xf32> to vector<16xf32>
        %add3A_367 = arith.addf %scan3A_354, %get3A_366 : vector<16xf32>
        %get3A_368 = arith.constant 3 : i32
        %get3A_369 = arith.index_cast %get3A_368 : i32 to index
        %get3A_370 = arith.index_cast %add3A_361 : i32 to index
        %get3A_371 = arith.constant 16 : index
        %get3A_372 = tpu.vector_load %arg6[%get3A_369, %get3A_370, %get3A_371] {strides = array<i32>} : memref<4x200x64xf32, #tpu.memory_space<vmem>>, vector<1x1x16xf32>,
        %get3A_373 = vector.shape_cast %get3A_372 : vector<1x1x16xf32> to vector<16xf32>
        %add3A_374 = arith.addf %scan3A_355, %get3A_373 : vector<16xf32>
        %get3A_375 = arith.constant 3 : i32
        %get3A_376 = arith.index_cast %get3A_375 : i32 to index
        %get3A_377 = arith.index_cast %add3A_361 : i32 to index
        %get3A_378 = arith.constant 32 : index
        %get3A_379 = tpu.vector_load %arg6[%get3A_376, %get3A_377, %get3A_378] {strides = array<i32>} : memref<4x200x64xf32, #tpu.memory_space<vmem>>, vector<1x1x16xf32>,
        %get3A_380 = vector.shape_cast %get3A_379 : vector<1x1x16xf32> to vector<16xf32>
        %add3A_381 = arith.addf %scan3A_356, %get3A_380 : vector<16xf32>
        %get3A_382 = arith.constant 3 : i32
        %get3A_383 = arith.index_cast %get3A_382 : i32 to index
        %get3A_384 = arith.index_cast %add3A_361 : i32 to index
        %get3A_385 = arith.constant 48 : index
        %get3A_386 = tpu.vector_load %arg6[%get3A_383, %get3A_384, %get3A_385] {strides = array<i32>} : memref<4x200x64xf32, #tpu.memory_space<vmem>>, vector<1x1x16xf32>,
        %get3A_387 = vector.shape_cast %get3A_386 : vector<1x1x16xf32> to vector<16xf32>
        %add3A_388 = arith.addf %scan3A_357, %get3A_387 : vector<16xf32>
        %mul3A_389 = arith.constant 8 : i32
        %mul3A_390 = arith.muli %scan3A_353, %mul3A_389 : i32
        %add3A_391 = arith.constant 1 : i32
        %add3A_392 = arith.addi %mul3A_390, %add3A_391 : i32
        %get3A_393 = arith.constant 3 : i32
        %get3A_394 = arith.index_cast %get3A_393 : i32 to index
        %get3A_395 = arith.index_cast %add3A_392 : i32 to index
        %get3A_396 = arith.constant 0 : index
        %get3A_397 = tpu.vector_load %arg6[%get3A_394, %get3A_395, %get3A_396] {strides = array<i32>} : memref<4x200x64xf32, #tpu.memory_space<vmem>>, vector<1x1x16xf32>,
        %get3A_398 = vector.shape_cast %get3A_397 : vector<1x1x16xf32> to vector<16xf32>
        %add3A_399 = arith.addf %add3A_367, %get3A_398 : vector<16xf32>
        %get3A_400 = arith.constant 3 : i32
        %get3A_401 = arith.index_cast %get3A_400 : i32 to index
        %get3A_402 = arith.index_cast %add3A_392 : i32 to index
        %get3A_403 = arith.constant 16 : index
        %get3A_404 = tpu.vector_load %arg6[%get3A_401, %get3A_402, %get3A_403] {strides = array<i32>} : memref<4x200x64xf32, #tpu.memory_space<vmem>>, vector<1x1x16xf32>,
        %get3A_405 = vector.shape_cast %get3A_404 : vector<1x1x16xf32> to vector<16xf32>
        %add3A_406 = arith.addf %add3A_374, %get3A_405 : vector<16xf32>
        %get3A_407 = arith.constant 3 : i32
        %get3A_408 = arith.index_cast %get3A_407 : i32 to index
        %get3A_409 = arith.index_cast %add3A_392 : i32 to index
        %get3A_410 = arith.constant 32 : index
        %get3A_411 = tpu.vector_load %arg6[%get3A_408, %get3A_409, %get3A_410] {strides = array<i32>} : memref<4x200x64xf32, #tpu.memory_space<vmem>>, vector<1x1x16xf32>,
        %get3A_412 = vector.shape_cast %get3A_411 : vector<1x1x16xf32> to vector<16xf32>
        %add3A_413 = arith.addf %add3A_381, %get3A_412 : vector<16xf32>
        %get3A_414 = arith.constant 3 : i32
        %get3A_415 = arith.index_cast %get3A_414 : i32 to index
        %get3A_416 = arith.index_cast %add3A_392 : i32 to index
        %get3A_417 = arith.constant 48 : index
        %get3A_418 = tpu.vector_load %arg6[%get3A_415, %get3A_416, %get3A_417] {strides = array<i32>} : memref<4x200x64xf32, #tpu.memory_space<vmem>>, vector<1x1x16xf32>,
        %get3A_419 = vector.shape_cast %get3A_418 : vector<1x1x16xf32> to vector<16xf32>
        %add3A_420 = arith.addf %add3A_388, %get3A_419 : vector<16xf32>
        %mul3A_421 = arith.constant 8 : i32
        %mul3A_422 = arith.muli %scan3A_353, %mul3A_421 : i32
        %add3A_423 = arith.constant 2 : i32
        %add3A_424 = arith.addi %mul3A_422, %add3A_423 : i32
        %get3A_425 = arith.constant 3 : i32
        %get3A_426 = arith.index_cast %get3A_425 : i32 to index
        %get3A_427 = arith.index_cast %add3A_424 : i32 to index
        %get3A_428 = arith.constant 0 : index
        %get3A_429 = tpu.vector_load %arg6[%get3A_426, %get3A_427, %get3A_428] {strides = array<i32>} : memref<4x200x64xf32, #tpu.memory_space<vmem>>, vector<1x1x16xf32>,
        %get3A_430 = vector.shape_cast %get3A_429 : vector<1x1x16xf32> to vector<16xf32>
        %add3A_431 = arith.addf %add3A_399, %get3A_430 : vector<16xf32>
        %get3A_432 = arith.constant 3 : i32
        %get3A_433 = arith.index_cast %get3A_432 : i32 to index
        %get3A_434 = arith.index_cast %add3A_424 : i32 to index
        %get3A_435 = arith.constant 16 : index
        %get3A_436 = tpu.vector_load %arg6[%get3A_433, %get3A_434, %get3A_435] {strides = array<i32>} : memref<4x200x64xf32, #tpu.memory_space<vmem>>, vector<1x1x16xf32>,
        %get3A_437 = vector.shape_cast %get3A_436 : vector<1x1x16xf32> to vector<16xf32>
        %add3A_438 = arith.addf %add3A_406, %get3A_437 : vector<16xf32>
        %get3A_439 = arith.constant 3 : i32
        %get3A_440 = arith.index_cast %get3A_439 : i32 to index
        %get3A_441 = arith.index_cast %add3A_424 : i32 to index
        %get3A_442 = arith.constant 32 : index
        %get3A_443 = tpu.vector_load %arg6[%get3A_440, %get3A_441, %get3A_442] {strides = array<i32>} : memref<4x200x64xf32, #tpu.memory_space<vmem>>, vector<1x1x16xf32>,
        %get3A_444 = vector.shape_cast %get3A_443 : vector<1x1x16xf32> to vector<16xf32>
        %add3A_445 = arith.addf %add3A_413, %get3A_444 : vector<16xf32>
        %get3A_446 = arith.constant 3 : i32
        %get3A_447 = arith.index_cast %get3A_446 : i32 to index
        %get3A_448 = arith.index_cast %add3A_424 : i32 to index
        %get3A_449 = arith.constant 48 : index
        %get3A_450 = tpu.vector_load %arg6[%get3A_447, %get3A_448, %get3A_449] {strides = array<i32>} : memref<4x200x64xf32, #tpu.memory_space<vmem>>, vector<1x1x16xf32>,
        %get3A_451 = vector.shape_cast %get3A_450 : vector<1x1x16xf32> to vector<16xf32>
        %add3A_452 = arith.addf %add3A_420, %get3A_451 : vector<16xf32>
        %mul3A_453 = arith.constant 8 : i32
        %mul3A_454 = arith.muli %scan3A_353, %mul3A_453 : i32
        %add3A_455 = arith.constant 3 : i32
        %add3A_456 = arith.addi %mul3A_454, %add3A_455 : i32
        %get3A_457 = arith.constant 3 : i32
        %get3A_458 = arith.index_cast %get3A_457 : i32 to index
        %get3A_459 = arith.index_cast %add3A_456 : i32 to index
        %get3A_460 = arith.constant 0 : index
        %get3A_461 = tpu.vector_load %arg6[%get3A_458, %get3A_459, %get3A_460] {strides = array<i32>} : memref<4x200x64xf32, #tpu.memory_space<vmem>>, vector<1x1x16xf32>,
        %get3A_462 = vector.shape_cast %get3A_461 : vector<1x1x16xf32> to vector<16xf32>
        %add3A_463 = arith.addf %add3A_431, %get3A_462 : vector<16xf32>
        %get3A_464 = arith.constant 3 : i32
        %get3A_465 = arith.index_cast %get3A_464 : i32 to index
        %get3A_466 = arith.index_cast %add3A_456 : i32 to index
        %get3A_467 = arith.constant 16 : index
        %get3A_468 = tpu.vector_load %arg6[%get3A_465, %get3A_466, %get3A_467] {strides = array<i32>} : memref<4x200x64xf32, #tpu.memory_space<vmem>>, vector<1x1x16xf32>,
        %get3A_469 = vector.shape_cast %get3A_468 : vector<1x1x16xf32> to vector<16xf32>
        %add3A_470 = arith.addf %add3A_438, %get3A_469 : vector<16xf32>
        %get3A_471 = arith.constant 3 : i32
        %get3A_472 = arith.index_cast %get3A_471 : i32 to index
        %get3A_473 = arith.index_cast %add3A_456 : i32 to index
        %get3A_474 = arith.constant 32 : index
        %get3A_475 = tpu.vector_load %arg6[%get3A_472, %get3A_473, %get3A_474] {strides = array<i32>} : memref<4x200x64xf32, #tpu.memory_space<vmem>>, vector<1x1x16xf32>,
        %get3A_476 = vector.shape_cast %get3A_475 : vector<1x1x16xf32> to vector<16xf32>
        %add3A_477 = arith.addf %add3A_445, %get3A_476 : vector<16xf32>
        %get3A_478 = arith.constant 3 : i32
        %get3A_479 = arith.index_cast %get3A_478 : i32 to index
        %get3A_480 = arith.index_cast %add3A_456 : i32 to index
        %get3A_481 = arith.constant 48 : index
        %get3A_482 = tpu.vector_load %arg6[%get3A_479, %get3A_480, %get3A_481] {strides = array<i32>} : memref<4x200x64xf32, #tpu.memory_space<vmem>>, vector<1x1x16xf32>,
        %get3A_483 = vector.shape_cast %get3A_482 : vector<1x1x16xf32> to vector<16xf32>
        %add3A_484 = arith.addf %add3A_452, %get3A_483 : vector<16xf32>
        %mul3A_485 = arith.constant 8 : i32
        %mul3A_486 = arith.muli %scan3A_353, %mul3A_485 : i32
        %add3A_487 = arith.constant 4 : i32
        %add3A_488 = arith.addi %mul3A_486, %add3A_487 : i32
        %get3A_489 = arith.constant 3 : i32
        %get3A_490 = arith.index_cast %get3A_489 : i32 to index
        %get3A_491 = arith.index_cast %add3A_488 : i32 to index
        %get3A_492 = arith.constant 0 : index
        %get3A_493 = tpu.vector_load %arg6[%get3A_490, %get3A_491, %get3A_492] {strides = array<i32>} : memref<4x200x64xf32, #tpu.memory_space<vmem>>, vector<1x1x16xf32>,
        %get3A_494 = vector.shape_cast %get3A_493 : vector<1x1x16xf32> to vector<16xf32>
        %add3A_495 = arith.addf %add3A_463, %get3A_494 : vector<16xf32>
        %get3A_496 = arith.constant 3 : i32
        %get3A_497 = arith.index_cast %get3A_496 : i32 to index
        %get3A_498 = arith.index_cast %add3A_488 : i32 to index
        %get3A_499 = arith.constant 16 : index
        %get3A_500 = tpu.vector_load %arg6[%get3A_497, %get3A_498, %get3A_499] {strides = array<i32>} : memref<4x200x64xf32, #tpu.memory_space<vmem>>, vector<1x1x16xf32>,
        %get3A_501 = vector.shape_cast %get3A_500 : vector<1x1x16xf32> to vector<16xf32>
        %add3A_502 = arith.addf %add3A_470, %get3A_501 : vector<16xf32>
        %get3A_503 = arith.constant 3 : i32
        %get3A_504 = arith.index_cast %get3A_503 : i32 to index
        %get3A_505 = arith.index_cast %add3A_488 : i32 to index
        %get3A_506 = arith.constant 32 : index
        %get3A_507 = tpu.vector_load %arg6[%get3A_504, %get3A_505, %get3A_506] {strides = array<i32>} : memref<4x200x64xf32, #tpu.memory_space<vmem>>, vector<1x1x16xf32>,
        %get3A_508 = vector.shape_cast %get3A_507 : vector<1x1x16xf32> to vector<16xf32>
        %add3A_509 = arith.addf %add3A_477, %get3A_508 : vector<16xf32>
        %get3A_510 = arith.constant 3 : i32
        %get3A_511 = arith.index_cast %get3A_510 : i32 to index
        %get3A_512 = arith.index_cast %add3A_488 : i32 to index
        %get3A_513 = arith.constant 48 : index
        %get3A_514 = tpu.vector_load %arg6[%get3A_511, %get3A_512, %get3A_513] {strides = array<i32>} : memref<4x200x64xf32, #tpu.memory_space<vmem>>, vector<1x1x16xf32>,
        %get3A_515 = vector.shape_cast %get3A_514 : vector<1x1x16xf32> to vector<16xf32>
        %add3A_516 = arith.addf %add3A_484, %get3A_515 : vector<16xf32>
        %mul3A_517 = arith.constant 8 : i32
        %mul3A_518 = arith.muli %scan3A_353, %mul3A_517 : i32
        %add3A_519 = arith.constant 5 : i32
        %add3A_520 = arith.addi %mul3A_518, %add3A_519 : i32
        %get3A_521 = arith.constant 3 : i32
        %get3A_522 = arith.index_cast %get3A_521 : i32 to index
        %get3A_523 = arith.index_cast %add3A_520 : i32 to index
        %get3A_524 = arith.constant 0 : index
        %get3A_525 = tpu.vector_load %arg6[%get3A_522, %get3A_523, %get3A_524] {strides = array<i32>} : memref<4x200x64xf32, #tpu.memory_space<vmem>>, vector<1x1x16xf32>,
        %get3A_526 = vector.shape_cast %get3A_525 : vector<1x1x16xf32> to vector<16xf32>
        %add3A_527 = arith.addf %add3A_495, %get3A_526 : vector<16xf32>
        %get3A_528 = arith.constant 3 : i32
        %get3A_529 = arith.index_cast %get3A_528 : i32 to index
        %get3A_530 = arith.index_cast %add3A_520 : i32 to index
        %get3A_531 = arith.constant 16 : index
        %get3A_532 = tpu.vector_load %arg6[%get3A_529, %get3A_530, %get3A_531] {strides = array<i32>} : memref<4x200x64xf32, #tpu.memory_space<vmem>>, vector<1x1x16xf32>,
        %get3A_533 = vector.shape_cast %get3A_532 : vector<1x1x16xf32> to vector<16xf32>
        %add3A_534 = arith.addf %add3A_502, %get3A_533 : vector<16xf32>
        %get3A_535 = arith.constant 3 : i32
        %get3A_536 = arith.index_cast %get3A_535 : i32 to index
        %get3A_537 = arith.index_cast %add3A_520 : i32 to index
        %get3A_538 = arith.constant 32 : index
        %get3A_539 = tpu.vector_load %arg6[%get3A_536, %get3A_537, %get3A_538] {strides = array<i32>} : memref<4x200x64xf32, #tpu.memory_space<vmem>>, vector<1x1x16xf32>,
        %get3A_540 = vector.shape_cast %get3A_539 : vector<1x1x16xf32> to vector<16xf32>
        %add3A_541 = arith.addf %add3A_509, %get3A_540 : vector<16xf32>
        %get3A_542 = arith.constant 3 : i32
        %get3A_543 = arith.index_cast %get3A_542 : i32 to index
        %get3A_544 = arith.index_cast %add3A_520 : i32 to index
        %get3A_545 = arith.constant 48 : index
        %get3A_546 = tpu.vector_load %arg6[%get3A_543, %get3A_544, %get3A_545] {strides = array<i32>} : memref<4x200x64xf32, #tpu.memory_space<vmem>>, vector<1x1x16xf32>,
        %get3A_547 = vector.shape_cast %get3A_546 : vector<1x1x16xf32> to vector<16xf32>
        %add3A_548 = arith.addf %add3A_516, %get3A_547 : vector<16xf32>
        %mul3A_549 = arith.constant 8 : i32
        %mul3A_550 = arith.muli %scan3A_353, %mul3A_549 : i32
        %add3A_551 = arith.constant 6 : i32
        %add3A_552 = arith.addi %mul3A_550, %add3A_551 : i32
        %get3A_553 = arith.constant 3 : i32
        %get3A_554 = arith.index_cast %get3A_553 : i32 to index
        %get3A_555 = arith.index_cast %add3A_552 : i32 to index
        %get3A_556 = arith.constant 0 : index
        %get3A_557 = tpu.vector_load %arg6[%get3A_554, %get3A_555, %get3A_556] {strides = array<i32>} : memref<4x200x64xf32, #tpu.memory_space<vmem>>, vector<1x1x16xf32>,
        %get3A_558 = vector.shape_cast %get3A_557 : vector<1x1x16xf32> to vector<16xf32>
        %add3A_559 = arith.addf %add3A_527, %get3A_558 : vector<16xf32>
        %get3A_560 = arith.constant 3 : i32
        %get3A_561 = arith.index_cast %get3A_560 : i32 to index
        %get3A_562 = arith.index_cast %add3A_552 : i32 to index
        %get3A_563 = arith.constant 16 : index
        %get3A_564 = tpu.vector_load %arg6[%get3A_561, %get3A_562, %get3A_563] {strides = array<i32>} : memref<4x200x64xf32, #tpu.memory_space<vmem>>, vector<1x1x16xf32>,
        %get3A_565 = vector.shape_cast %get3A_564 : vector<1x1x16xf32> to vector<16xf32>
        %add3A_566 = arith.addf %add3A_534, %get3A_565 : vector<16xf32>
        %get3A_567 = arith.constant 3 : i32
        %get3A_568 = arith.index_cast %get3A_567 : i32 to index
        %get3A_569 = arith.index_cast %add3A_552 : i32 to index
        %get3A_570 = arith.constant 32 : index
        %get3A_571 = tpu.vector_load %arg6[%get3A_568, %get3A_569, %get3A_570] {strides = array<i32>} : memref<4x200x64xf32, #tpu.memory_space<vmem>>, vector<1x1x16xf32>,
        %get3A_572 = vector.shape_cast %get3A_571 : vector<1x1x16xf32> to vector<16xf32>
        %add3A_573 = arith.addf %add3A_541, %get3A_572 : vector<16xf32>
        %get3A_574 = arith.constant 3 : i32
        %get3A_575 = arith.index_cast %get3A_574 : i32 to index
        %get3A_576 = arith.index_cast %add3A_552 : i32 to index
        %get3A_577 = arith.constant 48 : index
        %get3A_578 = tpu.vector_load %arg6[%get3A_575, %get3A_576, %get3A_577] {strides = array<i32>} : memref<4x200x64xf32, #tpu.memory_space<vmem>>, vector<1x1x16xf32>,
        %get3A_579 = vector.shape_cast %get3A_578 : vector<1x1x16xf32> to vector<16xf32>
        %add3A_580 = arith.addf %add3A_548, %get3A_579 : vector<16xf32>
        %mul3A_581 = arith.constant 8 : i32
        %mul3A_582 = arith.muli %scan3A_353, %mul3A_581 : i32
        %add3A_583 = arith.constant 7 : i32
        %add3A_584 = arith.addi %mul3A_582, %add3A_583 : i32
        %get3A_585 = arith.constant 3 : i32
        %get3A_586 = arith.index_cast %get3A_585 : i32 to index
        %get3A_587 = arith.index_cast %add3A_584 : i32 to index
        %get3A_588 = arith.constant 0 : index
        %get3A_589 = tpu.vector_load %arg6[%get3A_586, %get3A_587, %get3A_588] {strides = array<i32>} : memref<4x200x64xf32, #tpu.memory_space<vmem>>, vector<1x1x16xf32>,
        %get3A_590 = vector.shape_cast %get3A_589 : vector<1x1x16xf32> to vector<16xf32>
        %add3A_591 = arith.addf %add3A_559, %get3A_590 : vector<16xf32>
        %get3A_592 = arith.constant 3 : i32
        %get3A_593 = arith.index_cast %get3A_592 : i32 to index
        %get3A_594 = arith.index_cast %add3A_584 : i32 to index
        %get3A_595 = arith.constant 16 : index
        %get3A_596 = tpu.vector_load %arg6[%get3A_593, %get3A_594, %get3A_595] {strides = array<i32>} : memref<4x200x64xf32, #tpu.memory_space<vmem>>, vector<1x1x16xf32>,
        %get3A_597 = vector.shape_cast %get3A_596 : vector<1x1x16xf32> to vector<16xf32>
        %add3A_598 = arith.addf %add3A_566, %get3A_597 : vector<16xf32>
        %get3A_599 = arith.constant 3 : i32
        %get3A_600 = arith.index_cast %get3A_599 : i32 to index
        %get3A_601 = arith.index_cast %add3A_584 : i32 to index
        %get3A_602 = arith.constant 32 : index
        %get3A_603 = tpu.vector_load %arg6[%get3A_600, %get3A_601, %get3A_602] {strides = array<i32>} : memref<4x200x64xf32, #tpu.memory_space<vmem>>, vector<1x1x16xf32>,
        %get3A_604 = vector.shape_cast %get3A_603 : vector<1x1x16xf32> to vector<16xf32>
        %add3A_605 = arith.addf %add3A_573, %get3A_604 : vector<16xf32>
        %get3A_606 = arith.constant 3 : i32
        %get3A_607 = arith.index_cast %get3A_606 : i32 to index
        %get3A_608 = arith.index_cast %add3A_584 : i32 to index
        %get3A_609 = arith.constant 48 : index
        %get3A_610 = tpu.vector_load %arg6[%get3A_607, %get3A_608, %get3A_609] {strides = array<i32>} : memref<4x200x64xf32, #tpu.memory_space<vmem>>, vector<1x1x16xf32>,
        %get3A_611 = vector.shape_cast %get3A_610 : vector<1x1x16xf32> to vector<16xf32>
        %add3A_612 = arith.addf %add3A_580, %get3A_611 : vector<16xf32>
        scf.yield %add3A_591, %add3A_598, %add3A_605, %add3A_612 : vector<16xf32>, vector<16xf32>, vector<16xf32>, vector<16xf32>
      }
      %scan3A_324 = arith.constant 25 : i32
      %swap3A_325 = arith.index_cast %add3A_298 : i32 to index
      %swap3A_326 = arith.constant 0 : index
      %swap3A_327 = tpu.vector_load %arg7[%swap3A_325, %swap3A_326] {strides = array<i32>} : memref<128x64xf32, #tpu.memory_space<vmem>>, vector<1x16xf32>,
      %swap3A_328 = vector.shape_cast %swap3A_327 : vector<1x16xf32> to vector<16xf32>
      %swap3A_329 = vector.shape_cast %scan3A_323#0 : vector<16xf32> to vector<1x16xf32>
      tpu.vector_store %arg7[%swap3A_325, %swap3A_326], %swap3A_329 {strides = array<i32>} : memref<128x64xf32, #tpu.memory_space<vmem>>, vector<1x16xf32>,
      %swap3A_330 = arith.index_cast %add3A_298 : i32 to index
      %swap3A_331 = arith.constant 16 : index
      %swap3A_332 = tpu.vector_load %arg7[%swap3A_330, %swap3A_331] {strides = array<i32>} : memref<128x64xf32, #tpu.memory_space<vmem>>, vector<1x16xf32>,
      %swap3A_333 = vector.shape_cast %swap3A_332 : vector<1x16xf32> to vector<16xf32>
      %swap3A_334 = vector.shape_cast %scan3A_323#1 : vector<16xf32> to vector<1x16xf32>
      tpu.vector_store %arg7[%swap3A_330, %swap3A_331], %swap3A_334 {strides = array<i32>} : memref<128x64xf32, #tpu.memory_space<vmem>>, vector<1x16xf32>,
      %swap3A_335 = arith.index_cast %add3A_298 : i32 to index
      %swap3A_336 = arith.constant 32 : index
      %swap3A_337 = tpu.vector_load %arg7[%swap3A_335, %swap3A_336] {strides = array<i32>} : memref<128x64xf32, #tpu.memory_space<vmem>>, vector<1x16xf32>,
      %swap3A_338 = vector.shape_cast %swap3A_337 : vector<1x16xf32> to vector<16xf32>
      %swap3A_339 = vector.shape_cast %scan3A_323#2 : vector<16xf32> to vector<1x16xf32>
      tpu.vector_store %arg7[%swap3A_335, %swap3A_336], %swap3A_339 {strides = array<i32>} : memref<128x64xf32, #tpu.memory_space<vmem>>, vector<1x16xf32>,
      %swap3A_340 = arith.index_cast %add3A_298 : i32 to index
      %swap3A_341 = arith.constant 48 : index
      %swap3A_342 = tpu.vector_load %arg7[%swap3A_340, %swap3A_341] {strides = array<i32>} : memref<128x64xf32, #tpu.memory_space<vmem>>, vector<1x16xf32>,
      %swap3A_343 = vector.shape_cast %swap3A_342 : vector<1x16xf32> to vector<16xf32>
      %swap3A_344 = vector.shape_cast %scan3A_323#3 : vector<16xf32> to vector<1x16xf32>
      tpu.vector_store %arg7[%swap3A_340, %swap3A_341], %swap3A_344 {strides = array<i32>} : memref<128x64xf32, #tpu.memory_space<vmem>>, vector<1x16xf32>,
      %add3A_345 = arith.constant 4 : i32
      %add3A_346 = arith.addi %add3A_298, %add3A_345 : i32
      %lt3A_347 = arith.constant 128 : i32
      %lt3A_348 = arith.cmpi slt, %add3A_346, %lt3A_347 : i32
      %convert_element_type3A_349 = arith.extui %lt3A_348 : i1 to i32
      %cond3A_350 = arith.constant 0 : i32
      %cond3A_351 = arith.cmpi ne, %convert_element_type3A_349, %cond3A_350 : i32
      scf.if %cond3A_351 {
        %add3A_353 = arith.constant 4 : i32
        %add3A_354 = arith.addi %add3A_298, %add3A_353 : i32
        %dma_start3A_355 = arith.constant 3 : i32
        %dma_start3A_356 = arith.constant 3 : i32
        %dma_start3A_357 = arith.constant 0 : i32
        %dma_start3A_358 = arith.constant 0 : i32
        %dma_start3A_359 = tpu.memref_slice %arg6[%dma_start3A_355, %dma_start3A_357, %dma_start3A_358] : memref<4x200x64xf32, #tpu.memory_space<vmem>> -> memref<1x128x64xf32, #tpu.memory_space<vmem>>
        %dma_start3A_360 = tpu.memref_squeeze %dma_start3A_359 : memref<1x128x64xf32, #tpu.memory_space<vmem>> -> memref<128x64xf32, #tpu.memory_space<vmem>>
        %dma_start3A_361 = arith.constant 0 : i32
        %dma_start3A_362 = tpu.memref_slice %arg5[%add3A_354, %dma_start3A_361] : memref<128x200xi32, #tpu.memory_space<vmem>> -> memref<1x128xi32, #tpu.memory_space<vmem>>
        %dma_start3A_363 = tpu.memref_squeeze %dma_start3A_362 : memref<1x128xi32, #tpu.memory_space<vmem>> -> memref<128xi32, #tpu.memory_space<vmem>>
        %dma_start3A_364 = arith.constant 0 : i32
        %dma_start3A_365 = arith.constant 0 : i32
        %dma_start3A_366 = tpu.memref_slice %arg3[%dma_start3A_364, %dma_start3A_365] : memref<1000000x64xf32, #tpu.memory_space<hbm>> -> memref<1000000x64xf32, #tpu.memory_space<hbm>>
        %dma_start3A_367 = tpu.memref_slice %arg8[%dma_start3A_356] : memref<4x!tpu.dma_semaphore, #tpu.memory_space<semaphore_mem>> -> memref<1x!tpu.dma_semaphore, #tpu.memory_space<semaphore_mem>>
        %dma_start3A_368 = tpu.memref_squeeze %dma_start3A_367 : memref<1x!tpu.dma_semaphore, #tpu.memory_space<semaphore_mem>> -> memref<!tpu.dma_semaphore, #tpu.memory_space<semaphore_mem>>
        tpu.enqueue_indirect_dma source(%dma_start3A_366 : memref<1000000x64xf32, #tpu.memory_space<hbm>>) target(%dma_start3A_360 : memref<128x64xf32, #tpu.memory_space<vmem>>) offsets(%dma_start3A_363 : memref<128xi32, #tpu.memory_space<vmem>>) semaphore(%dma_start3A_368 : memref<!tpu.dma_semaphore, #tpu.memory_space<semaphore_mem>>)
        %dma_start3A_369 = arith.constant 3 : i32
        %dma_start3A_370 = arith.constant 3 : i32
        %dma_start3A_371 = arith.constant 128 : i32
        %dma_start3A_372 = arith.constant 0 : i32
        %dma_start3A_373 = tpu.memref_slice %arg6[%dma_start3A_369, %dma_start3A_371, %dma_start3A_372] : memref<4x200x64xf32, #tpu.memory_space<vmem>> -> memref<1x72x64xf32, #tpu.memory_space<vmem>>
        %dma_start3A_374 = tpu.memref_squeeze %dma_start3A_373 : memref<1x72x64xf32, #tpu.memory_space<vmem>> -> memref<72x64xf32, #tpu.memory_space<vmem>>
        %dma_start3A_375 = arith.constant 128 : i32
        %dma_start3A_376 = tpu.memref_slice %arg5[%add3A_354, %dma_start3A_375] : memref<128x200xi32, #tpu.memory_space<vmem>> -> memref<1x72xi32, #tpu.memory_space<vmem>>
        %dma_start3A_377 = tpu.memref_squeeze %dma_start3A_376 : memref<1x72xi32, #tpu.memory_space<vmem>> -> memref<72xi32, #tpu.memory_space<vmem>>
        %dma_start3A_378 = arith.constant 0 : i32
        %dma_start3A_379 = arith.constant 0 : i32
        %dma_start3A_380 = tpu.memref_slice %arg3[%dma_start3A_378, %dma_start3A_379] : memref<1000000x64xf32, #tpu.memory_space<hbm>> -> memref<1000000x64xf32, #tpu.memory_space<hbm>>
        %dma_start3A_381 = tpu.memref_slice %arg8[%dma_start3A_370] : memref<4x!tpu.dma_semaphore, #tpu.memory_space<semaphore_mem>> -> memref<1x!tpu.dma_semaphore, #tpu.memory_space<semaphore_mem>>
        %dma_start3A_382 = tpu.memref_squeeze %dma_start3A_381 : memref<1x!tpu.dma_semaphore, #tpu.memory_space<semaphore_mem>> -> memref<!tpu.dma_semaphore, #tpu.memory_space<semaphore_mem>>
        tpu.enqueue_indirect_dma source(%dma_start3A_380 : memref<1000000x64xf32, #tpu.memory_space<hbm>>) target(%dma_start3A_374 : memref<72x64xf32, #tpu.memory_space<vmem>>) offsets(%dma_start3A_377 : memref<72xi32, #tpu.memory_space<vmem>>) semaphore(%dma_start3A_382 : memref<!tpu.dma_semaphore, #tpu.memory_space<semaphore_mem>>)
      } else {
      }
      %scan3A_352 = arith.constant 0 : i32
      scf.yield %scan3A_352 : i32
    }
    %scan3A_127 = arith.constant 32 : i32
    "tpu.region"() ({
      %run_scoped3A = tpu.sem_alloc : memref<!tpu.dma_semaphore, #tpu.memory_space<semaphore_mem>>
      %dma_start3A_128 = arith.constant 0 : i32
      %dma_start3A_129 = tpu.memref_slice %arg4[%multiple_of3A, %dma_start3A_128] : memref<4096x64xf32, #tpu.memory_space<hbm>> -> memref<128x64xf32, #tpu.memory_space<hbm>>
      %dma_start3A_130 = arith.constant 0 : i32
      %dma_start3A_131 = tpu.memref_slice %arg4[%multiple_of3A, %dma_start3A_130] : memref<4096x64xf32, #tpu.memory_space<hbm>> -> memref<128x64xf32, #tpu.memory_space<hbm>>
      tpu.enqueue_dma source(%arg7 : memref<128x64xf32, #tpu.memory_space<vmem>>) target(%dma_start3A_131 : memref<128x64xf32, #tpu.memory_space<hbm>>) target_semaphore(%run_scoped3A : memref<!tpu.dma_semaphore, #tpu.memory_space<semaphore_mem>>)
      %dma_wait3A = arith.constant 0 : i32
      %dma_wait3A_132 = tpu.memref_slice %arg4[%multiple_of3A, %dma_wait3A] : memref<4096x64xf32, #tpu.memory_space<hbm>> -> memref<128x64xf32, #tpu.memory_space<hbm>>
      %dma_wait3A_133 = arith.constant 0 : i32
      %dma_wait3A_134 = tpu.memref_slice %arg4[%multiple_of3A, %dma_wait3A_133] : memref<4096x64xf32, #tpu.memory_space<hbm>> -> memref<128x64xf32, #tpu.memory_space<hbm>>
      tpu.wait_dma2 semaphore(%run_scoped3A : memref<!tpu.dma_semaphore, #tpu.memory_space<semaphore_mem>>) src(%arg7 : memref<128x64xf32, #tpu.memory_space<vmem>>) dst(%dma_wait3A_134 : memref<128x64xf32, #tpu.memory_space<hbm>>)
      tpu.yield
    }) : () -> ()
    return
  }
}

module attributes {stable_mosaic.version = 14 : i64} {
  func.func @_mlp_body(%arg0: memref<4096x64xf32, #tpu.memory_space<vmem>>, %arg1: memref<4096x1xf32, #tpu.memory_space<vmem>>, %arg2: memref<64x16xf32, #tpu.memory_space<vmem>>, %arg3: memref<1x16xf32, #tpu.memory_space<vmem>>, %arg4: memref<16x16xf32, #tpu.memory_space<vmem>>, %arg5: memref<1x16xf32, #tpu.memory_space<vmem>>, %arg6: memref<4096x16xf32, #tpu.memory_space<vmem>>) attributes {dimension_semantics = [], scalar_prefetch = 0 : i64, scratch_operands = 0 : i64, tpu.core_type = #tpu.core_type<tc>} {
    %get3A = arith.constant 0 : index
    %get3A_0 = arith.constant 0 : index
    %get3A_1 = vector.load %arg0[%get3A, %get3A_0] : memref<4096x64xf32, #tpu.memory_space<vmem>>, vector<4096x64xf32>
    %get3A_2 = arith.constant 0 : index
    %get3A_3 = arith.constant 0 : index
    %get3A_4 = vector.load %arg1[%get3A_2, %get3A_3] : memref<4096x1xf32, #tpu.memory_space<vmem>>, vector<4096x1xf32>
    %div3A = vector.broadcast %get3A_4 : vector<4096x1xf32> to vector<4096x64xf32>
    %div3A_5 = arith.divf %get3A_1, %div3A : vector<4096x64xf32>
    %get3A_6 = arith.constant 0 : index
    %get3A_7 = arith.constant 0 : index
    %get3A_8 = vector.load %arg2[%get3A_6, %get3A_7] : memref<64x16xf32, #tpu.memory_space<vmem>>, vector<64x16xf32>
    %dot_general3A = arith.constant dense<0.000000e+00> : vector<4096x16xf32>
    %dot_general3A_9 = tpu.matmul %div3A_5, %get3A_8, %dot_general3A {dimension_numbers = #tpu.dot_dimension_numbers<[1], [0], [0], [1], [0, 0, 1, 1], [], []>, transpose_lhs_hint = false} : vector<4096x64xf32>, vector<64x16xf32>, vector<4096x16xf32> -> vector<4096x16xf32>
    %get3A_10 = arith.constant 0 : index
    %get3A_11 = arith.constant 0 : index
    %get3A_12 = vector.load %arg3[%get3A_10, %get3A_11] : memref<1x16xf32, #tpu.memory_space<vmem>>, vector<1x16xf32>
    %add3A = vector.broadcast %get3A_12 : vector<1x16xf32> to vector<4096x16xf32>
    %add3A_13 = arith.addf %dot_general3A_9, %add3A : vector<4096x16xf32>
    %max3A = arith.constant 0.000000e+00 : f32
    %max3A_14 = vector.broadcast %max3A : f32 to vector<4096x16xf32>
    %max3A_15 = arith.maximumf %add3A_13, %max3A_14 : vector<4096x16xf32>
    %get3A_16 = arith.constant 0 : index
    %get3A_17 = arith.constant 0 : index
    %get3A_18 = vector.load %arg4[%get3A_16, %get3A_17] : memref<16x16xf32, #tpu.memory_space<vmem>>, vector<16x16xf32>
    %dot_general3A_19 = arith.constant dense<0.000000e+00> : vector<4096x16xf32>
    %dot_general3A_20 = tpu.matmul %max3A_15, %get3A_18, %dot_general3A_19 {dimension_numbers = #tpu.dot_dimension_numbers<[1], [0], [0], [1], [0, 0, 1, 1], [], []>, transpose_lhs_hint = false} : vector<4096x16xf32>, vector<16x16xf32>, vector<4096x16xf32> -> vector<4096x16xf32>
    %get3A_21 = arith.constant 0 : index
    %get3A_22 = arith.constant 0 : index
    %get3A_23 = vector.load %arg5[%get3A_21, %get3A_22] : memref<1x16xf32, #tpu.memory_space<vmem>>, vector<1x16xf32>
    %add3A_24 = vector.broadcast %get3A_23 : vector<1x16xf32> to vector<4096x16xf32>
    %add3A_25 = arith.addf %dot_general3A_20, %add3A_24 : vector<4096x16xf32>
    %swap3A = arith.constant 0 : index
    %swap3A_26 = arith.constant 0 : index
    %swap3A_27 = vector.load %arg6[%swap3A, %swap3A_26] : memref<4096x16xf32, #tpu.memory_space<vmem>>, vector<4096x16xf32>
    tpu.vector_store %arg6[%swap3A, %swap3A_26], %add3A_25 {strides = array<i32>} : memref<4096x16xf32, #tpu.memory_space<vmem>>, vector<4096x16xf32>,
    return
  }
}

</mosaic_0001>

<sc_bundles>
// kernel: kernel.4.cloned.1.call-start
scs
__scs_entry_jumppad:
0x0: {  	(pc) =	sbr.rel $0x88, $3  }
0x1: {  	(tag) =	ssettag $0x0;
	lr =	simm.s32 $0x1  }
0x2: {  	[smem:$0x3F9A] =	sst lr;
	_ =	strace $0xD0000000  }
0x3: {  	_ = 	snop  }
0x4: {  	_ = 	snop  }
0x5: {  	_ = 	snop  }
0x6: {  	_ = 	snop  }
0x7: {  	_ = 	snop  }
__scs_overlays_trampoline_lowered:
0x8: {  	[smem:$0x3FA9] =	sst s0  }
0x9: {  	[smem:$0x3FAA] =	sst s1  }
0xa: {  	[smem:$0x3FAB] =	sst s2  }
0xb: {  	[smem:$0x3FAC] =	sst s3  }
0xc: {  	[smem:$0x3FAD] =	sst s4  }
0xd: {  	[smem:$0x3FAE] =	sst s5  }
0xe: {  	[smem:$0x3FAF] =	sst s6  }
0xf: {  	[smem:$0x3FB0] =	sst s7  }
0x10: {  	[smem:$0x3FB1] =	sst s8  }
0x11: {  	[smem:$0x3FB2] =	sst s9;
	s0 =	simm.s32 @!p0 $0x0  }
0x12: {  	s1 =	sld [smem:$0x3F98];
	s0 =	simm.s32 @p0 $0x1  }
0x13: {  	[smem:$0x3FB3] =	sst s0;
	s0 =	simm.s32 @!p1 $0x0  }
0x14: {  	s2 =	sld [smem:$0x3F97];
	s0 =	simm.s32 @p1 $0x1  }
0x15: {  	[smem:$0x3FB4] =	sst s0;
	s0 =	simm.s32 @!p2 $0x0  }
0x16: {  	s3 =	sld [smem:$0x3FDB];
	s0 =	simm.s32 @p2 $0x1  }
0x17: {  	s4 =	simm.s32 $0x1BF5;
	[smem:$0x3FB6] =	sst s0  }
0x18: {  	s0 =	sld [smem:$0x3F99];
	_ =	swait.ge [sflag:s4], $0x0  }
0x19: {  	s7 =	sld [smem:$0x3F9A]  }
0x1a: {  	s8 =	sadd.s32 $0xFFFFE003, lr  }
0x1b: {  	s9 =	sadd.s32 $0xFFFFFEF7, lr;
	s5 =	simm.s32 $0xFFFFFFFF;
	p2 =	slt.u32 s8, $0xFFFFF086  }
0x1c: {  	p1 =	slt.u32 s9, $0xF7A;
	s5 =	simm.s32 @!p2 $0x0  }
0x1d: {  	s5 =	simm.s32 @p1 $0x1;
	p0 =	seq.s32 s7, s2  }
0x1e: {  	s7 =	smul.u32 @!p0 $0xF7A, s2;
	p2 =	seq.s32 @!p0 s5, $0x0  }
0x1f: {  	s9 =	smul.u32 $0xF7A, s1;
	s8 =	simm.s32 @!p0 $0x1BF5;
	p2 =	por !p2, p0  }
0x20: {  	[sflag:s8] =	ssyncset.s32 @!p0 $0xFFFFF086;
	s6 =	sadd.s32 @!p0 s3, s7;
	s7 =	simm.s32 @!p0 $0x108  }
0x21: {  	s3 =	sadd.s32 s3, s9;
	s6 =	sadd.s32 @!p0 $0x88, s6;
	s7 =	simm.s32 @p2 $0x1082  }
0x22: {  	[simem:s7], [sflag:s8] =	dma.local @!p0 [hbm:s6], $0xF7A  }
0x23: {  	s9 =	sor.u32 $0xD0000000, s2;
	s6 =	simm.s32 $0x108;
	_ =	swait.ge @!p0 [sflag:s8], $0x0  }
0x24: {  	s3 =	sadd.s32 $0x88, s3;
	s6 =	simm.s32 @!p1 $0x1082;
	[sflag:s4] =	ssyncset.s32 $0xFFFFF086  }
0x25: {  	[simem:s6], [sflag:s4] =	dma.local [hbm:s3], $0xF7A  }
0x26: {  	[smem:$0x3F9A] =	sst s1;
	(tag) =	ssettag s2;
	_ =	strace s9  }
0x27: {  	s1 =	sld [smem:$0x3FAA]  }
0x28: {  	s2 =	sld [smem:$0x3FAB]  }
0x29: {  	s4 =	sld [smem:$0x3FAD]  }
0x2a: {  	p0 =	seq.s32 s5, $0x0;
	s5 =	sld [smem:$0x3FAE]  }
0x2b: {  	s6 =	sld [smem:$0x3FAF]  }
0x2c: {  	s7 =	sld [smem:$0x3FB0]  }
0x2d: {  	s3 =	simm.s32 $0x108;
	s8 =	sld [smem:$0x3FB1]  }
0x2e: {  	s3 =	simm.s32 @!p0 $0x1082;
	s9 =	sld [smem:$0x3FB2]  }
0x2f: {  	lr =	sadd.s32 s0, s3;
	s0 =	sld [smem:$0x3FA9]  }
0x30: {  	s3 =	sld [smem:$0x3FAC]  }
0x31: {  	[smem:$0x3FB5] =	sst s10  }
0x32: {  	s10 =	sld [smem:$0x3FB3];
	_ =	sdelay $0x3  }
0x33: {  	p0 =	seq.s32 s10, $0x1;
	s10 =	sld [smem:$0x3FB5];
	_ =	sdelay $0x3  }
0x34: {  	[smem:$0x3FB5] =	sst s10  }
0x35: {  	s10 =	sld [smem:$0x3FB4];
	_ =	sdelay $0x3  }
0x36: {  	p1 =	seq.s32 s10, $0x1;
	s10 =	sld [smem:$0x3FB5];
	_ =	sdelay $0x3  }
0x37: {  	[smem:$0x3FB5] =	sst s10  }
0x38: {  	s10 =	sld [smem:$0x3FB6]  }
0x39: {  	_ = 	snop;
	(pc) =	sbr.ind lr, $3  }
0x3a: {  	_ = 	snop  }
0x3b: {  	_ = 	snop  }
0x3c: {  	p2 =	seq.s32 s10, $0x1;
	s10 =	sld [smem:$0x3FB5]  }
0x3d: {  	_ =	shalt  }
0x3e: {  	_ =	shalt  }
0x3f: {  	_ =	shalt  }
0x40: {  	_ =	shalt  }
0x41: {  	_ =	shalt  }
0x42: {  	_ =	shalt  }
0x43: {  	_ =	shalt  }
0x44: {  	_ =	shalt  }
0x45: {  	_ =	shalt  }
0x46: {  	_ =	shalt  }
0x47: {  	_ =	shalt  }
0x48: {  	_ =	shalt  }
0x49: {  	_ =	shalt  }
0x4a: {  	_ =	shalt  }
0x4b: {  	_ =	shalt  }
0x4c: {  	_ =	shalt  }
0x4d: {  	_ =	shalt  }
0x4e: {  	_ =	shalt  }
0x4f: {  	_ =	shalt  }
0x50: {  	_ =	shalt  }
0x51: {  	_ =	shalt  }
0x52: {  	_ =	shalt  }
0x53: {  	_ =	shalt  }
0x54: {  	_ =	shalt  }
0x55: {  	_ =	shalt  }
0x56: {  	_ =	shalt  }
0x57: {  	_ =	shalt  }
0x58: {  	_ =	shalt  }
0x59: {  	_ =	shalt  }
0x5a: {  	_ =	shalt  }
0x5b: {  	_ =	shalt  }
0x5c: {  	_ =	shalt  }
0x5d: {  	_ =	shalt  }
0x5e: {  	_ =	shalt  }
0x5f: {  	_ =	shalt  }
0x60: {  	_ =	shalt  }
0x61: {  	_ =	shalt  }
0x62: {  	_ =	shalt  }
0x63: {  	_ =	shalt  }
0x64: {  	_ =	shalt  }
0x65: {  	_ =	shalt  }
0x66: {  	_ =	shalt  }
0x67: {  	_ =	shalt  }
0x68: {  	_ =	shalt  }
0x69: {  	_ =	shalt  }
0x6a: {  	_ =	shalt  }
0x6b: {  	_ =	shalt  }
0x6c: {  	_ =	shalt  }
0x6d: {  	_ =	shalt  }
0x6e: {  	_ =	shalt  }
0x6f: {  	_ =	shalt  }
0x70: {  	_ =	shalt  }
0x71: {  	_ =	shalt  }
0x72: {  	_ =	shalt  }
0x73: {  	_ =	shalt  }
0x74: {  	_ =	shalt  }
0x75: {  	_ =	shalt  }
0x76: {  	_ =	shalt  }
0x77: {  	_ =	shalt  }
0x78: {  	_ =	shalt  }
0x79: {  	_ =	shalt  }
0x7a: {  	_ =	shalt  }
0x7b: {  	_ =	shalt  }
0x7c: {  	_ =	shalt  }
0x7d: {  	_ =	shalt  }
0x7e: {  	_ =	shalt  }
0x7f: {  	_ =	shalt  }
0x80: {  	_ =	shalt  }
0x81: {  	_ =	shalt  }
0x82: {  	_ =	shalt  }
0x83: {  	_ =	shalt  }
0x84: {  	_ =	shalt  }
0x85: {  	_ =	shalt  }
0x86: {  	_ =	shalt  }
0x87: {  	_ =	shalt  }
.Lfunc_end0:
.L_simem_size_0:
called_computation_lowered:
.L_overlay_start_0:
0x88: {  	s2 =	sld [smem:$0x3FD9]  }
0x89: {  	s3 =	sld [smem:$0x3FFE];
	_ =	sdelay $0x1  }
0x8a: {  	s1 =	srdreg.scid  }
0x8b: {  	s0 =	sand.u32 $0x1, s1  }
0x8c: {  	s16 =	sshll.u32 s0, $0xA;
	s2 =	sadd.s32 s3, s2  }
0x8d: {  	s2 =	sadd.s32 s2, s16  }
0x8e: {  	[smem:$0x3FC1] =	sst s2  }
0x8f: {  	_ = 	snop  }
0x90: {  	(tm) =	ssettm $0x1  }
0x91: {  	s17 =	sld [smem:$0x3FFB];
	_ =	sdelay $0x3  }
0x92: {  	_ =	strace s17  }
0x93: {  	s2 =	sld [smem:$0x3FFC];
	_ =	sdelay $0x3  }
0x94: {  	_ =	strace s2  }
0x95: {  	s2 =	sld [smem:$0x3FFD];
	_ =	sdelay $0x3  }
0x96: {  	_ =	strace s2  }
0x97: {  	_ =	strace $0x8FFFFFFF  }
0x98: {  	s18 =	sld [smem:$0x3FDB];
	_ =	sdelay $0x1  }
0x99: {  	s19 =	simm.s32 $_scs_section_size  }
0x9a: {  	s4 =	simm.s32 $_size__tile_overlayer_lowered;
	s5 =	simm.s32 $_tile_overlayer_lowered  }
0x9b: {  	s22 =	simm.s32 $0x1BFF;
	s21 =	sshll.u32 s5, $0x1;
	s2 =	sadd.s32 s19, s18  }
0x9c: {  	s6 =	simm.s32 $0x0;
	s20 =	sshll.u32 s4, $0x1;
	s4 =	sadd.s32 s21, s2  }
0x9d: {  	[timem:s6], [sflag:s22] =	dma.local [hbm:s4], s20  }
0x9e: {  	_ =	swait.ge [sflag:s22], s20  }
0x9f: {  	s3 =	ssub.s32 $0x0, s20;
	[sflag:s22] =	ssyncset.done $0x0  }
0xa0: {  	[sflag:s22] =	ssyncadd.s32 s3;
	_ =	sdelay $0x1  }
0xa1: {  	s23 =	simm.s32 $0x1B8B  }
0xa2: {  	_ =	swait.ge [sflag:s23], $0x1  }
0xa3: {  	[sflag:s23] =	ssyncset.done $0x0  }
0xa4: {  	s25 =	simm.s32 $0x1B8E;
	s24 =	sld [smem:$0x3FFE];
	[sflag:s23] =	ssyncadd.s32 $0xFFFFFFFF  }
0xa5: {  	s26 =	simm.s32 $execute0_lowered;
	[smem:$0x3FD2] =	sst s25  }
0xa6: {  	s4 =	sshll.u32 s26, $0x1;
	_ =	strace $0x80000046;
	[dreg:$0x1] =	wrdreg $0xFFFFFFFF  }
0xa7: {  	s28 =	simm.s32 $_size_execute0_lowered;
	s2 =	sadd.s32 s2, s4;
	[dreg:$0x0] =	wrdreg $0x0  }
0xa8: {  	s4 =	sshll.u32 s28, $0x1;
	[dreg:$0x2] =	wrdreg s2  }
0xa9: {  	[dreg:$0x3] =	wrdreg s4  }
0xaa: {  	[dreg:$0x4] =	wrdreg $0xC0  }
0xab: {  	_ =	task [dreg:s6], $0x5FFFF  }
0xac: {  	[dreg:$0x1] =	wrdreg $0xFFFFFFFF  }
0xad: {  	[dreg:$0x0] =	wrdreg $0x60  }
0xae: {  	[dreg:$0x2] =	wrdreg s24  }
0xaf: {  	[dreg:$0x3] =	wrdreg $0x9  }
0xb0: {  	_ =	task.clear_ibuf [dreg:s6], $0x4FFFF;
	_ =	strace $0x90000046  }
0xb1: {  	s29 =	simm.s32 $0x9;
	_ =	strace $0x80000048  }
0xb2: {  	_ =	swait.ge [sflag:s29], $0x1  }
0xb3: {  	[sflag:s29] =	ssyncadd.s32 $0xFFFFFFFF  }
0xb4: {  	_ =	strace $0x90000048  }
0xb5: {  	_ =	sfence  }
0xb6: {  	s30 =	sld [smem:$0x0];
	_ =	sdelay $0x2  }
0xb7: {  	s31 =	sshll.u32 s1, $0xD;
	s1 =	sshrl.u32 s1, $0x2  }
0xb8: {  	s3 =	sand.u32 $0x4000, s31;
	s1 =	sadd.s32 s1, s30  }
0xb9: {  	s0 =	sor.u32 s3, s0;
	s1 =	sshll.u32 s1, $0x11  }
0xba: {  	s0 =	sor.u32 s1, s0  }
0xbb: {  	s0 =	sadd.s32 $0x8F2B, s0  }
0xbc: {  	[sflag:s0] =	ssyncadd.remote.s32 $0x1  }
0xbd: {  	_ =	sfence.sel $0xFFFF  }
0xbe: {  	[dreg:$0x0] =	wrdreg $0xFFFFFFFF;
	(pc) =	sbr.abs _section_cstart, $3  }
0xbf: {  	[dreg:$0x1] =	wrdreg $0xFFFFFFFF  }
0xc0: {  	_ =	task.clear_ibuf [dreg:s6], $0x2FFFF;
	_ =	strace $0x9FFFFFFF  }
0xc1: {  	(tm) =	ssettm $0x7FFFFFFF  }
tec
execute0_lowered:
.L_overlay_start_1:
0x0: {  	(tag) =	ssettag $0x1  }
0x1: {  	s0 =	srdreg.scid  }
0x2: {  	s2 =	stileid.u32;
	s1 =	rddreg [dreg:$0x0]  }
0x3: {  	s7 =	simm.s32 $0x5;
	s8 =	simm.s32 $0x80;
	s10 =	simm.s32 $0x48  }
0x4: {  	s13 =	simm.s32 $0x9600;
	s14 =	simm.s32 $0x148;
	s15 =	simm.s32 $0xB600  }
0x5: {  	s16 =	simm.s32 $0x190;
	s17 =	simm.s32 $0xC800;
	s18 =	simm.s32 $0x210  }
0x6: {  	s19 =	simm.s32 $0xE800;
	s20 =	simm.s32 $0x258;
	s21 =	simm.s32 $0xFA00  }
0x7: {  	s22 =	simm.s32 $0x2D8;
	s23 =	simm.s32 $0x11A00;
	s24 =	simm.s32 $0x1  }
0x8: {  	s25 =	simm.s32 $0x2;
	s26 =	simm.s32 $0x3;
	s28 =	simm.s32 $0x4  }
0x9: {  	s29 =	simm.s32 $0x12C00;
	s30 =	simm.s32 $0x0;
	s0 =	sand.u32 $0x1, s0  }
0xa: {  	s3 =	sshll.u32 s2, $0x8;
	s2 =	simm.s32 $0x0;
	s4 =	sshll.u32 s0, $0x7  }
.Ltmp0:
0xb: {  	[smem:$0x7FF] =	sst s2;
	s3 =	sor.u32 s4, s3;
	(pc) =	sbr.rel .LBB2_1-.Ltmp0, $4  }
0xc: {  	s0 =	ssub.s32 $0x2, s0;
	_ =	strace $0x80000047;
	s4 =	smul.u32 $0x19, s3  }
0xd: {  	s31 =	sshrl.u32 s0, $0x1;
	s5 =	sshll.u32 s3, $0x3;
	s3 =	sadd.s32 $0xF43400, s1  }
0xe: {  	s0 =	ssub.s32 s0, s31;
	s4 =	sadd.s32 s4, s1;
	s1 =	sadd.s32 s5, s1  }
0xf: {  	s6 =	smax.u32 s0, $0x1;
	s4 =	sadd.s32 $0x1000, s4;
	s5 =	sadd.s32 $0x1A000, s1  }
.LBB2_12:
0x10: {  	s30 =	sadd.s32 $0x1, s30  }
0x11: {  	p0 =	sne.s32 s30, s6  }
.Ltmp1:
0x12: {  	_ = 	snop;
	(pc) =	sbr.rel @!p0 .LBB2_13-.Ltmp1, $4  }
0x13: {  	[hbm4b:s5+s2] =	stream.linear.scatter [tilespmem:s29], [sflag:$0x5], $0x2000, $0x38;
	[tilespmem:$0x14C00] =	vst v63  }
0x14: {  	_ =	swait.ge [sflag:s7], $0x2000  }
0x15: {  	[sflag:s7] =	ssyncset.done $0x0  }
0x16: {  	[sflag:s7] =	ssyncadd.s32 $0xFFFFE000  }
.LBB2_1:
0x17: {  	[tilespmem:s2], [sflag:$0x5] =	stream.linear.gather [hbm4b:s4+s2], $0x6400, $0x38;
	[tilespmem:$0x14C00] =	vst v63  }
0x18: {  	_ =	swait.ge [sflag:s7], $0x6400  }
0x19: {  	[sflag:s7] =	ssyncset.done $0x0  }
0x1a: {  	s0 =	simm.s32 $0x6400;
	[sflag:s7] =	ssyncadd.s32 $0xFFFF9C00  }
0x1b: {  	[tilespmem:s0], [sflag:$0x1] =	stream.indirect.gather [hbm4b:s3+s8], $0x40, s2, s8, $0xb8;
	[tilespmem:$0x14C00] =	vst v63  }
0x1c: {  	s11 =	simm.s32 $0x8400  }
0x1d: {  	[tilespmem:s11], [sflag:$0x1] =	stream.indirect.gather [hbm4b:s3+s10], $0x40, s8, s10, $0xb8;
	[tilespmem:$0x14C00] =	vst v63  }
0x1e: {  	s12 =	simm.s32 $0xC8  }
0x1f: {  	[tilespmem:s13], [sflag:$0x2] =	stream.indirect.gather [hbm4b:s3+s8], $0x40, s12, s8, $0xb8;
	[tilespmem:$0x14C00] =	vst v63  }
0x20: {  	_ = 	snop  }
0x21: {  	[tilespmem:s15], [sflag:$0x2] =	stream.indirect.gather [hbm4b:s3+s10], $0x40, s14, s10, $0xb8;
	[tilespmem:$0x14C00] =	vst v63  }
0x22: {  	_ = 	snop  }
0x23: {  	[tilespmem:s17], [sflag:$0x3] =	stream.indirect.gather [hbm4b:s3+s8], $0x40, s16, s8, $0xb8;
	[tilespmem:$0x14C00] =	vst v63  }
0x24: {  	_ = 	snop  }
0x25: {  	[tilespmem:s19], [sflag:$0x3] =	stream.indirect.gather [hbm4b:s3+s10], $0x40, s18, s10, $0xb8;
	[tilespmem:$0x14C00] =	vst v63  }
0x26: {  	_ = 	snop  }
0x27: {  	[tilespmem:s21], [sflag:$0x4] =	stream.indirect.gather [hbm4b:s3+s8], $0x40, s20, s8, $0xb8;
	[tilespmem:$0x14C00] =	vst v63  }
0x28: {  	s31 =	simm.s32 $0x0  }
0x29: {  	[tilespmem:s23], [sflag:$0x4] =	stream.indirect.gather [hbm4b:s3+s10], $0x40, s22, s10, $0xb8;
	[tilespmem:$0x14C00] =	vst v63  }
.LBB2_2:
0x2a: {  	_ =	swait.ge [sflag:s24], $0x3200  }
0x2b: {  	[sflag:s24] =	ssyncset.done $0x0  }
0x2c: {  	s0 =	simm.s32 $0x0;
	[sflag:s24] =	ssyncadd.s32 $0xFFFFCE00  }
0x2d: {  	v0 =	vld [tilespmem:s0+$0x65C0]  }
0x2e: {  	v1 =	vld [tilespmem:s0+$0x65D0]  }
0x2f: {  	v2 =	vld [tilespmem:s0+$0x6580]  }
0x30: {  	v3 =	vld [tilespmem:s0+$0x6590]  }
0x31: {  	v4 =	vld [tilespmem:s0+$0x6540]  }
0x32: {  	v5 =	vld [tilespmem:s0+$0x6550]  }
0x33: {  	v6 =	vld [tilespmem:s0+$0x6500]  }
0x34: {  	v7 =	vld [tilespmem:s0+$0x6510]  }
0x35: {  	v9 =	vld [tilespmem:s0+$0x64C0]  }
0x36: {  	v8 =	vld [tilespmem:s0+$0x64D0]  }
0x37: {  	v11 =	vld [tilespmem:s0+$0x6480]  }
0x38: {  	v10 =	vld [tilespmem:s0+$0x6490]  }
0x39: {  	v17 =	vld [tilespmem:s0+$0x6440]  }
0x3a: {  	v16 =	vld [tilespmem:s0+$0x6450]  }
0x3b: {  	v19 =	vld [tilespmem:s0+$0x6400]  }
0x3c: {  	v12 =	vimm.f32 $0.0e+00;
	v20 =	vld [tilespmem:s0+$0x6410]  }
0x3d: {  	s1 =	simm.s32 $0x800;
	v15 =	vimm.f32 $0.0e+00;
	v14 =	vimm.f32 $0.0e+00;
	v13 =	vimm.f32 $0.0e+00;
	v18 =	vld [tilespmem:s0+$0x6420]  }
.LBB2_3:
0x3e: {  	p0 =	sne.s32 s1, $0xC000;
	v21 =	vld [tilespmem:s0+$0x6430]  }
0x3f: {  	v22 =	vld [tilespmem:s0+$0x6460]  }
0x40: {  	v23 =	vld [tilespmem:s0+$0x6470]  }
0x41: {  	v24 =	vld [tilespmem:s0+$0x64A0]  }
0x42: {  	v12 =	vadd.f32 v19, v12;
	v15 =	vadd.f32 v20, v15;
	v19 =	vld [tilespmem:s0+$0x64B0]  }
0x43: {  	v14 =	vadd.f32 v18, v14;
	v13 =	vadd.f32 v21, v13;
	v18 =	vld [tilespmem:s0+$0x64E0]  }
0x44: {  	v12 =	vadd.f32 v17, v12;
	v15 =	vadd.f32 v16, v15;
	v16 =	vld [tilespmem:s0+$0x64F0]  }
0x45: {  	v14 =	vadd.f32 v22, v14;
	v13 =	vadd.f32 v23, v13;
	v17 =	vld [tilespmem:s0+$0x6520]  }
0x46: {  	v11 =	vadd.f32 v11, v12;
	v10 =	vadd.f32 v10, v15;
	v12 =	vld [tilespmem:s0+$0x6530]  }
0x47: {  	v14 =	vadd.f32 v24, v14;
	v13 =	vadd.f32 v19, v13;
	v15 =	vld [tilespmem:s0+$0x6560]  }
0x48: {  	v9 =	vadd.f32 v9, v11;
	v8 =	vadd.f32 v8, v10;
	v10 =	vld [tilespmem:s0+$0x6570]  }
0x49: {  	v11 =	vadd.f32 v18, v14;
	v13 =	vadd.f32 v16, v13;
	v14 =	vld [tilespmem:s0+$0x65A0]  }
0x4a: {  	v6 =	vadd.f32 v6, v9;
	v7 =	vadd.f32 v7, v8;
	v8 =	vld [tilespmem:s0+$0x65B0]  }
0x4b: {  	v9 =	vadd.f32 v17, v11;
	v11 =	vadd.f32 v12, v13;
	v13 =	vld [tilespmem:s0+$0x65E0]  }
0x4c: {  	v4 =	vadd.f32 v4, v6;
	v5 =	vadd.f32 v5, v7;
	v6 =	vld [tilespmem:s0+$0x65F0];
	s0 =	sshra.s32 s1, $0x2  }
0x4d: {  	v9 =	vadd.f32 v15, v9;
	v7 =	vld [tilespmem:s0+$0x65C0];
	v10 =	vadd.f32 v10, v11  }
0x4e: {  	v4 =	vadd.f32 v2, v4;
	v5 =	vadd.f32 v3, v5;
	v11 =	vld [tilespmem:s0+$0x65D0]  }
0x4f: {  	v9 =	vadd.f32 v14, v9;
	v2 =	vld [tilespmem:s0+$0x6580];
	v8 =	vadd.f32 v8, v10  }
0x50: {  	v12 =	vadd.f32 v0, v4;
	v15 =	vadd.f32 v1, v5;
	v3 =	vld [tilespmem:s0+$0x6590]  }
0x51: {  	v14 =	vadd.f32 v13, v9;
	v4 =	vld [tilespmem:s0+$0x6540];
	v13 =	vadd.f32 v6, v8  }
0x52: {  	v5 =	vld [tilespmem:s0+$0x6550];
	v0 =	vmov v7  }
0x53: {  	v6 =	vld [tilespmem:s0+$0x6500];
	v1 =	vmov v11  }
0x54: {  	v7 =	vld [tilespmem:s0+$0x6510]  }
0x55: {  	v9 =	vld [tilespmem:s0+$0x64C0]  }
0x56: {  	v8 =	vld [tilespmem:s0+$0x64D0]  }
0x57: {  	v11 =	vld [tilespmem:s0+$0x6480]  }
0x58: {  	v10 =	vld [tilespmem:s0+$0x6490]  }
.Ltmp2:
0x59: {  	v17 =	vld [tilespmem:s0+$0x6440];
	(pc) =	sbr.rel @p0 .LBB2_3-.Ltmp2, $4  }
0x5a: {  	v16 =	vld [tilespmem:s0+$0x6450]  }
0x5b: {  	v19 =	vld [tilespmem:s0+$0x6400]  }
0x5c: {  	v20 =	vld [tilespmem:s0+$0x6410]  }
0x5d: {  	s1 =	sadd.s32 $0x800, s1;
	v18 =	vld [tilespmem:s0+$0x6420]  }
0x5e: {  	v21 =	vld [tilespmem:s0+$0x6430]  }
0x5f: {  	v22 =	vld [tilespmem:s0+$0x6460]  }
0x60: {  	v23 =	vld [tilespmem:s0+$0x6470];
	v12 =	vadd.f32 v19, v12  }
0x61: {  	v19 =	vld [tilespmem:s0+$0x64A0];
	v15 =	vadd.f32 v20, v15  }
0x62: {  	v20 =	vld [tilespmem:s0+$0x64B0];
	v14 =	vadd.f32 v18, v14;
	v12 =	vadd.f32 v17, v12  }
0x63: {  	v17 =	vld [tilespmem:s0+$0x64E0];
	v13 =	vadd.f32 v21, v13;
	v15 =	vadd.f32 v16, v15  }
0x64: {  	v16 =	vld [tilespmem:s0+$0x64F0];
	v14 =	vadd.f32 v22, v14;
	v11 =	vadd.f32 v11, v12  }
0x65: {  	v12 =	vadd.f32 v23, v13;
	v13 =	vld [tilespmem:s0+$0x6520];
	v10 =	vadd.f32 v10, v15  }
0x66: {  	v15 =	vld [tilespmem:s0+$0x6530];
	v14 =	vadd.f32 v19, v14;
	v9 =	vadd.f32 v9, v11  }
0x67: {  	v11 =	vadd.f32 v20, v12;
	v12 =	vld [tilespmem:s0+$0x6560];
	v8 =	vadd.f32 v8, v10  }
0x68: {  	v10 =	vld [tilespmem:s0+$0x6570];
	v14 =	vadd.f32 v17, v14;
	v6 =	vadd.f32 v6, v9  }
0x69: {  	v9 =	vadd.f32 v16, v11;
	v11 =	vld [tilespmem:s0+$0x65A0];
	v7 =	vadd.f32 v7, v8  }
0x6a: {  	v8 =	vld [tilespmem:s0+$0x65B0];
	v13 =	vadd.f32 v13, v14;
	v4 =	vadd.f32 v4, v6  }
0x6b: {  	v6 =	vadd.f32 v15, v9;
	v9 =	vld [tilespmem:s0+$0x65E0];
	v5 =	vadd.f32 v5, v7  }
0x6c: {  	v7 =	vld [tilespmem:s0+$0x65F0];
	v12 =	vadd.f32 v12, v13;
	v2 =	vadd.f32 v2, v4  }
0x6d: {  	v4 =	vadd.f32 v10, v6;
	v3 =	vadd.f32 v3, v5  }
0x6e: {  	s12 =	sshll.u32 s31, $0x8;
	v5 =	vadd.f32 v11, v12;
	v0 =	vadd.f32 v0, v2  }
0x6f: {  	p0 =	seq.s32 s31, $0x1F;
	s1 =	sand.u32 $0x3FFFFF00, s12;
	v2 =	vadd.f32 v8, v4;
	v1 =	vadd.f32 v1, v3  }
0x70: {  	s0 =	smul.u32 @!p0 $0xC80, s31;
	v3 =	vadd.f32 v9, v5;
	[tilespmem:s1+$0x12C00] =	vst v0  }
0x71: {  	v0 =	vadd.f32 v7, v2;
	[tilespmem:s1+$0x12C10] =	vst v1  }
0x72: {  	s0 =	sshra.s32 @!p0 s0, $0x2;
	[tilespmem:s1+$0x12C20] =	vst v3  }
0x73: {  	s11 =	simm.s32 @!p0 $0x80;
	s12 =	simm.s32 @!p0 $0x6400;
	s9 =	sadd.s32 @!p0 $0x320, s0;
	[tilespmem:s1+$0x12C30] =	vst v0  }
0x74: {  	[tilespmem:s12], [sflag:$0x1] =	stream.indirect.gather @!p0 [hbm4b:s3+s11], $0x40, s9, s11, $0xb8;
	[tilespmem:$0x14C00] =	vst v63  }
0x75: {  	s9 =	sadd.s32 @!p0 $0x3A0, s0;
	s11 =	simm.s32 @!p0 $0x48;
	s12 =	simm.s32 @!p0 $0x8400  }
0x76: {  	[tilespmem:s12], [sflag:$0x1] =	stream.indirect.gather @!p0 [hbm4b:s3+s11], $0x40, s9, s11, $0xb8;
	[tilespmem:$0x14C00] =	vst v63  }
0x77: {  	_ =	swait.ge [sflag:s25], $0x3200  }
0x78: {  	[sflag:s25] =	ssyncset.done $0x0  }
0x79: {  	s9 =	simm.s32 $0x0;
	[sflag:s25] =	ssyncadd.s32 $0xFFFFCE00  }
0x7a: {  	v0 =	vld [tilespmem:s9+$0x97C0]  }
0x7b: {  	v1 =	vld [tilespmem:s9+$0x97D0]  }
0x7c: {  	v2 =	vld [tilespmem:s9+$0x9780]  }
0x7d: {  	v3 =	vld [tilespmem:s9+$0x9790]  }
0x7e: {  	v4 =	vld [tilespmem:s9+$0x9740]  }
0x7f: {  	v5 =	vld [tilespmem:s9+$0x9750]  }
0x80: {  	v6 =	vld [tilespmem:s9+$0x9700]  }
0x81: {  	v7 =	vld [tilespmem:s9+$0x9710]  }
0x82: {  	v9 =	vld [tilespmem:s9+$0x96C0]  }
0x83: {  	v8 =	vld [tilespmem:s9+$0x96D0]  }
0x84: {  	v11 =	vld [tilespmem:s9+$0x9680]  }
0x85: {  	v10 =	vld [tilespmem:s9+$0x9690]  }
0x86: {  	v17 =	vld [tilespmem:s9+$0x9640]  }
0x87: {  	v16 =	vld [tilespmem:s9+$0x9650]  }
0x88: {  	v19 =	vld [tilespmem:s9+$0x9600]  }
0x89: {  	v14 =	vimm.f32 $0.0e+00;
	v20 =	vld [tilespmem:s9+$0x9610]  }
0x8a: {  	v15 =	vimm.f32 $0.0e+00;
	v13 =	vimm.f32 $0.0e+00;
	v12 =	vimm.f32 $0.0e+00;
	s11 =	simm.s32 $0x800;
	v18 =	vld [tilespmem:s9+$0x9620]  }
.LBB2_5:
0x8b: {  	p1 =	sne.s32 s11, $0xC000;
	v21 =	vld [tilespmem:s9+$0x9630]  }
0x8c: {  	v22 =	vld [tilespmem:s9+$0x9660]  }
0x8d: {  	v23 =	vld [tilespmem:s9+$0x9670]  }
0x8e: {  	v24 =	vld [tilespmem:s9+$0x96A0]  }
0x8f: {  	v12 =	vadd.f32 v19, v12;
	v15 =	vadd.f32 v20, v15;
	v19 =	vld [tilespmem:s9+$0x96B0]  }
0x90: {  	v14 =	vadd.f32 v18, v14;
	v13 =	vadd.f32 v21, v13;
	v18 =	vld [tilespmem:s9+$0x96E0]  }
0x91: {  	v12 =	vadd.f32 v17, v12;
	v15 =	vadd.f32 v16, v15;
	v16 =	vld [tilespmem:s9+$0x96F0]  }
0x92: {  	v14 =	vadd.f32 v22, v14;
	v13 =	vadd.f32 v23, v13;
	v17 =	vld [tilespmem:s9+$0x9720]  }
0x93: {  	v11 =	vadd.f32 v11, v12;
	v10 =	vadd.f32 v10, v15;
	v12 =	vld [tilespmem:s9+$0x9730]  }
0x94: {  	v14 =	vadd.f32 v24, v14;
	v13 =	vadd.f32 v19, v13;
	v15 =	vld [tilespmem:s9+$0x9760]  }
0x95: {  	v9 =	vadd.f32 v9, v11;
	v8 =	vadd.f32 v8, v10;
	v10 =	vld [tilespmem:s9+$0x9770]  }
0x96: {  	v11 =	vadd.f32 v18, v14;
	v13 =	vadd.f32 v16, v13;
	v14 =	vld [tilespmem:s9+$0x97A0]  }
0x97: {  	v6 =	vadd.f32 v6, v9;
	v7 =	vadd.f32 v7, v8;
	v8 =	vld [tilespmem:s9+$0x97B0]  }
0x98: {  	v9 =	vadd.f32 v17, v11;
	v11 =	vadd.f32 v12, v13;
	v13 =	vld [tilespmem:s9+$0x97E0]  }
0x99: {  	v4 =	vadd.f32 v4, v6;
	v5 =	vadd.f32 v5, v7;
	v6 =	vld [tilespmem:s9+$0x97F0];
	s9 =	sshra.s32 s11, $0x2  }
0x9a: {  	v9 =	vadd.f32 v15, v9;
	v7 =	vld [tilespmem:s9+$0x97C0];
	v10 =	vadd.f32 v10, v11  }
0x9b: {  	v4 =	vadd.f32 v2, v4;
	v5 =	vadd.f32 v3, v5;
	v11 =	vld [tilespmem:s9+$0x97D0]  }
0x9c: {  	v9 =	vadd.f32 v14, v9;
	v2 =	vld [tilespmem:s9+$0x9780];
	v8 =	vadd.f32 v8, v10  }
0x9d: {  	v12 =	vadd.f32 v0, v4;
	v15 =	vadd.f32 v1, v5;
	v3 =	vld [tilespmem:s9+$0x9790]  }
0x9e: {  	v14 =	vadd.f32 v13, v9;
	v4 =	vld [tilespmem:s9+$0x9740];
	v13 =	vadd.f32 v6, v8  }
0x9f: {  	v5 =	vld [tilespmem:s9+$0x9750];
	v0 =	vmov v7  }
0xa0: {  	v6 =	vld [tilespmem:s9+$0x9700];
	v1 =	vmov v11  }
0xa1: {  	v7 =	vld [tilespmem:s9+$0x9710]  }
0xa2: {  	v9 =	vld [tilespmem:s9+$0x96C0]  }
0xa3: {  	v8 =	vld [tilespmem:s9+$0x96D0]  }
0xa4: {  	v11 =	vld [tilespmem:s9+$0x9680]  }
0xa5: {  	v10 =	vld [tilespmem:s9+$0x9690]  }
.Ltmp3:
0xa6: {  	v17 =	vld [tilespmem:s9+$0x9640];
	(pc) =	sbr.rel @p1 .LBB2_5-.Ltmp3, $4  }
0xa7: {  	v16 =	vld [tilespmem:s9+$0x9650]  }
0xa8: {  	v19 =	vld [tilespmem:s9+$0x9600]  }
0xa9: {  	v20 =	vld [tilespmem:s9+$0x9610]  }
0xaa: {  	s11 =	sadd.s32 $0x800, s11;
	v18 =	vld [tilespmem:s9+$0x9620]  }
0xab: {  	v21 =	vld [tilespmem:s9+$0x9630]  }
0xac: {  	v22 =	vld [tilespmem:s9+$0x9660]  }
0xad: {  	v23 =	vld [tilespmem:s9+$0x9670];
	v12 =	vadd.f32 v19, v12  }
0xae: {  	v19 =	vld [tilespmem:s9+$0x96A0];
	v15 =	vadd.f32 v20, v15  }
0xaf: {  	v20 =	vld [tilespmem:s9+$0x96B0];
	v14 =	vadd.f32 v18, v14;
	v12 =	vadd.f32 v17, v12  }
0xb0: {  	v17 =	vld [tilespmem:s9+$0x96E0];
	v13 =	vadd.f32 v21, v13;
	v15 =	vadd.f32 v16, v15  }
0xb1: {  	v16 =	vld [tilespmem:s9+$0x96F0];
	v14 =	vadd.f32 v22, v14;
	v11 =	vadd.f32 v11, v12  }
0xb2: {  	v12 =	vadd.f32 v23, v13;
	v13 =	vld [tilespmem:s9+$0x9720];
	v10 =	vadd.f32 v10, v15  }
0xb3: {  	v15 =	vld [tilespmem:s9+$0x9730];
	v14 =	vadd.f32 v19, v14;
	v9 =	vadd.f32 v9, v11  }
0xb4: {  	v11 =	vadd.f32 v20, v12;
	v12 =	vld [tilespmem:s9+$0x9760];
	v8 =	vadd.f32 v8, v10  }
0xb5: {  	v10 =	vld [tilespmem:s9+$0x9770];
	v14 =	vadd.f32 v17, v14;
	v6 =	vadd.f32 v6, v9  }
0xb6: {  	v9 =	vadd.f32 v16, v11;
	v11 =	vld [tilespmem:s9+$0x97A0];
	v7 =	vadd.f32 v7, v8  }
0xb7: {  	v8 =	vld [tilespmem:s9+$0x97B0];
	v13 =	vadd.f32 v13, v14;
	v4 =	vadd.f32 v4, v6  }
0xb8: {  	v6 =	vadd.f32 v15, v9;
	v9 =	vld [tilespmem:s9+$0x97E0];
	v5 =	vadd.f32 v5, v7  }
0xb9: {  	v7 =	vld [tilespmem:s9+$0x97F0];
	v12 =	vadd.f32 v12, v13;
	v2 =	vadd.f32 v2, v4  }
0xba: {  	v4 =	vadd.f32 v10, v6;
	v3 =	vadd.f32 v3, v5  }
0xbb: {  	v5 =	vadd.f32 v11, v12;
	v0 =	vadd.f32 v0, v2  }
0xbc: {  	v2 =	vadd.f32 v8, v4;
	v1 =	vadd.f32 v1, v3  }
0xbd: {  	v3 =	vadd.f32 v9, v5;
	[tilespmem:s1+$0x12C40] =	vst v0  }
0xbe: {  	v0 =	vadd.f32 v7, v2;
	[tilespmem:s1+$0x12C50] =	vst v1  }
0xbf: {  	[tilespmem:s1+$0x12C60] =	vst v3  }
0xc0: {  	s11 =	simm.s32 @!p0 $0x80;
	s12 =	simm.s32 @!p0 $0x9600;
	s9 =	sadd.s32 @!p0 $0x3E8, s0;
	[tilespmem:s1+$0x12C70] =	vst v0  }
0xc1: {  	[tilespmem:s12], [sflag:$0x2] =	stream.indirect.gather @!p0 [hbm4b:s3+s11], $0x40, s9, s11, $0xb8;
	[tilespmem:$0x14C00] =	vst v63  }
0xc2: {  	s9 =	sadd.s32 @!p0 $0x468, s0;
	s11 =	simm.s32 @!p0 $0x48;
	s12 =	simm.s32 @!p0 $0xB600  }
0xc3: {  	[tilespmem:s12], [sflag:$0x2] =	stream.indirect.gather @!p0 [hbm4b:s3+s11], $0x40, s9, s11, $0xb8;
	[tilespmem:$0x14C00] =	vst v63  }
0xc4: {  	_ =	swait.ge [sflag:s26], $0x3200  }
0xc5: {  	[sflag:s26] =	ssyncset.done $0x0  }
0xc6: {  	s9 =	simm.s32 $0x0;
	[sflag:s26] =	ssyncadd.s32 $0xFFFFCE00  }
0xc7: {  	v0 =	vld [tilespmem:s9+$0xC9C0]  }
0xc8: {  	v1 =	vld [tilespmem:s9+$0xC9D0]  }
0xc9: {  	v2 =	vld [tilespmem:s9+$0xC980]  }
0xca: {  	v3 =	vld [tilespmem:s9+$0xC990]  }
0xcb: {  	v4 =	vld [tilespmem:s9+$0xC940]  }
0xcc: {  	v5 =	vld [tilespmem:s9+$0xC950]  }
0xcd: {  	v6 =	vld [tilespmem:s9+$0xC900]  }
0xce: {  	v7 =	vld [tilespmem:s9+$0xC910]  }
0xcf: {  	v9 =	vld [tilespmem:s9+$0xC8C0]  }
0xd0: {  	v8 =	vld [tilespmem:s9+$0xC8D0]  }
0xd1: {  	v11 =	vld [tilespmem:s9+$0xC880]  }
0xd2: {  	v10 =	vld [tilespmem:s9+$0xC890]  }
0xd3: {  	v17 =	vld [tilespmem:s9+$0xC840]  }
0xd4: {  	v16 =	vld [tilespmem:s9+$0xC850]  }
0xd5: {  	v19 =	vld [tilespmem:s9+$0xC800]  }
0xd6: {  	v14 =	vimm.f32 $0.0e+00;
	v20 =	vld [tilespmem:s9+$0xC810]  }
0xd7: {  	v15 =	vimm.f32 $0.0e+00;
	v13 =	vimm.f32 $0.0e+00;
	v12 =	vimm.f32 $0.0e+00;
	s11 =	simm.s32 $0x800;
	v18 =	vld [tilespmem:s9+$0xC820]  }
.LBB2_7:
0xd8: {  	p1 =	sne.s32 s11, $0xC000;
	v21 =	vld [tilespmem:s9+$0xC830]  }
0xd9: {  	v22 =	vld [tilespmem:s9+$0xC860]  }
0xda: {  	v23 =	vld [tilespmem:s9+$0xC870]  }
0xdb: {  	v24 =	vld [tilespmem:s9+$0xC8A0]  }
0xdc: {  	v12 =	vadd.f32 v19, v12;
	v15 =	vadd.f32 v20, v15;
	v19 =	vld [tilespmem:s9+$0xC8B0]  }
0xdd: {  	v14 =	vadd.f32 v18, v14;
	v13 =	vadd.f32 v21, v13;
	v18 =	vld [tilespmem:s9+$0xC8E0]  }
0xde: {  	v12 =	vadd.f32 v17, v12;
	v15 =	vadd.f32 v16, v15;
	v16 =	vld [tilespmem:s9+$0xC8F0]  }
0xdf: {  	v14 =	vadd.f32 v22, v14;
	v13 =	vadd.f32 v23, v13;
	v17 =	vld [tilespmem:s9+$0xC920]  }
0xe0: {  	v11 =	vadd.f32 v11, v12;
	v10 =	vadd.f32 v10, v15;
	v12 =	vld [tilespmem:s9+$0xC930]  }
0xe1: {  	v14 =	vadd.f32 v24, v14;
	v13 =	vadd.f32 v19, v13;
	v15 =	vld [tilespmem:s9+$0xC960]  }
0xe2: {  	v9 =	vadd.f32 v9, v11;
	v8 =	vadd.f32 v8, v10;
	v10 =	vld [tilespmem:s9+$0xC970]  }
0xe3: {  	v11 =	vadd.f32 v18, v14;
	v13 =	vadd.f32 v16, v13;
	v14 =	vld [tilespmem:s9+$0xC9A0]  }
0xe4: {  	v6 =	vadd.f32 v6, v9;
	v7 =	vadd.f32 v7, v8;
	v8 =	vld [tilespmem:s9+$0xC9B0]  }
0xe5: {  	v9 =	vadd.f32 v17, v11;
	v11 =	vadd.f32 v12, v13;
	v13 =	vld [tilespmem:s9+$0xC9E0]  }
0xe6: {  	v4 =	vadd.f32 v4, v6;
	v5 =	vadd.f32 v5, v7;
	v6 =	vld [tilespmem:s9+$0xC9F0];
	s9 =	sshra.s32 s11, $0x2  }
0xe7: {  	v9 =	vadd.f32 v15, v9;
	v7 =	vld [tilespmem:s9+$0xC9C0];
	v10 =	vadd.f32 v10, v11  }
0xe8: {  	v4 =	vadd.f32 v2, v4;
	v5 =	vadd.f32 v3, v5;
	v11 =	vld [tilespmem:s9+$0xC9D0]  }
0xe9: {  	v9 =	vadd.f32 v14, v9;
	v2 =	vld [tilespmem:s9+$0xC980];
	v8 =	vadd.f32 v8, v10  }
0xea: {  	v12 =	vadd.f32 v0, v4;
	v15 =	vadd.f32 v1, v5;
	v3 =	vld [tilespmem:s9+$0xC990]  }
0xeb: {  	v14 =	vadd.f32 v13, v9;
	v4 =	vld [tilespmem:s9+$0xC940];
	v13 =	vadd.f32 v6, v8  }
0xec: {  	v5 =	vld [tilespmem:s9+$0xC950];
	v0 =	vmov v7  }
0xed: {  	v6 =	vld [tilespmem:s9+$0xC900];
	v1 =	vmov v11  }
0xee: {  	v7 =	vld [tilespmem:s9+$0xC910]  }
0xef: {  	v9 =	vld [tilespmem:s9+$0xC8C0]  }
0xf0: {  	v8 =	vld [tilespmem:s9+$0xC8D0]  }
0xf1: {  	v11 =	vld [tilespmem:s9+$0xC880]  }
0xf2: {  	v10 =	vld [tilespmem:s9+$0xC890]  }
.Ltmp4:
0xf3: {  	v17 =	vld [tilespmem:s9+$0xC840];
	(pc) =	sbr.rel @p1 .LBB2_7-.Ltmp4, $4  }
0xf4: {  	v16 =	vld [tilespmem:s9+$0xC850]  }
0xf5: {  	v19 =	vld [tilespmem:s9+$0xC800]  }
0xf6: {  	v20 =	vld [tilespmem:s9+$0xC810]  }
0xf7: {  	s11 =	sadd.s32 $0x800, s11;
	v18 =	vld [tilespmem:s9+$0xC820]  }
0xf8: {  	v21 =	vld [tilespmem:s9+$0xC830]  }
0xf9: {  	v22 =	vld [tilespmem:s9+$0xC860]  }
0xfa: {  	v23 =	vld [tilespmem:s9+$0xC870];
	v12 =	vadd.f32 v19, v12  }
0xfb: {  	v19 =	vld [tilespmem:s9+$0xC8A0];
	v15 =	vadd.f32 v20, v15  }
0xfc: {  	v20 =	vld [tilespmem:s9+$0xC8B0];
	v14 =	vadd.f32 v18, v14;
	v12 =	vadd.f32 v17, v12  }
0xfd: {  	v17 =	vld [tilespmem:s9+$0xC8E0];
	v13 =	vadd.f32 v21, v13;
	v15 =	vadd.f32 v16, v15  }
0xfe: {  	v16 =	vld [tilespmem:s9+$0xC8F0];
	v14 =	vadd.f32 v22, v14;
	v11 =	vadd.f32 v11, v12  }
0xff: {  	v12 =	vadd.f32 v23, v13;
	v13 =	vld [tilespmem:s9+$0xC920];
	v10 =	vadd.f32 v10, v15  }
0x100: {  	v15 =	vld [tilespmem:s9+$0xC930];
	v14 =	vadd.f32 v19, v14;
	v9 =	vadd.f32 v9, v11  }
0x101: {  	v11 =	vadd.f32 v20, v12;
	v12 =	vld [tilespmem:s9+$0xC960];
	v8 =	vadd.f32 v8, v10  }
0x102: {  	v10 =	vld [tilespmem:s9+$0xC970];
	v14 =	vadd.f32 v17, v14;
	v6 =	vadd.f32 v6, v9  }
0x103: {  	v9 =	vadd.f32 v16, v11;
	v11 =	vld [tilespmem:s9+$0xC9A0];
	v7 =	vadd.f32 v7, v8  }
0x104: {  	v8 =	vld [tilespmem:s9+$0xC9B0];
	v13 =	vadd.f32 v13, v14;
	v4 =	vadd.f32 v4, v6  }
0x105: {  	v6 =	vadd.f32 v15, v9;
	v9 =	vld [tilespmem:s9+$0xC9E0];
	v5 =	vadd.f32 v5, v7  }
0x106: {  	v7 =	vld [tilespmem:s9+$0xC9F0];
	v12 =	vadd.f32 v12, v13;
	v2 =	vadd.f32 v2, v4  }
0x107: {  	v4 =	vadd.f32 v10, v6;
	v3 =	vadd.f32 v3, v5  }
0x108: {  	v5 =	vadd.f32 v11, v12;
	v0 =	vadd.f32 v0, v2  }
0x109: {  	v2 =	vadd.f32 v8, v4;
	v1 =	vadd.f32 v1, v3  }
0x10a: {  	v3 =	vadd.f32 v9, v5;
	[tilespmem:s1+$0x12C80] =	vst v0  }
0x10b: {  	v0 =	vadd.f32 v7, v2;
	[tilespmem:s1+$0x12C90] =	vst v1  }
0x10c: {  	[tilespmem:s1+$0x12CA0] =	vst v3  }
0x10d: {  	s11 =	simm.s32 @!p0 $0x80;
	s12 =	simm.s32 @!p0 $0xC800;
	s9 =	sadd.s32 @!p0 $0x4B0, s0;
	[tilespmem:s1+$0x12CB0] =	vst v0  }
0x10e: {  	[tilespmem:s12], [sflag:$0x3] =	stream.indirect.gather @!p0 [hbm4b:s3+s11], $0x40, s9, s11, $0xb8;
	[tilespmem:$0x14C00] =	vst v63  }
0x10f: {  	s0 =	sadd.s32 @!p0 $0x530, s0;
	s9 =	simm.s32 @!p0 $0x48;
	s11 =	simm.s32 @!p0 $0xE800  }
0x110: {  	[tilespmem:s11], [sflag:$0x3] =	stream.indirect.gather @!p0 [hbm4b:s3+s9], $0x40, s0, s9, $0xb8;
	[tilespmem:$0x14C00] =	vst v63  }
0x111: {  	_ =	swait.ge [sflag:s28], $0x3200  }
0x112: {  	[sflag:s28] =	ssyncset.done $0x0  }
0x113: {  	s0 =	simm.s32 $0x0;
	[sflag:s28] =	ssyncadd.s32 $0xFFFFCE00  }
0x114: {  	v0 =	vld [tilespmem:s0+$0xFBC0]  }
0x115: {  	v1 =	vld [tilespmem:s0+$0xFBD0]  }
0x116: {  	v2 =	vld [tilespmem:s0+$0xFB80]  }
0x117: {  	v3 =	vld [tilespmem:s0+$0xFB90]  }
0x118: {  	v4 =	vld [tilespmem:s0+$0xFB40]  }
0x119: {  	v5 =	vld [tilespmem:s0+$0xFB50]  }
0x11a: {  	v6 =	vld [tilespmem:s0+$0xFB00]  }
0x11b: {  	v7 =	vld [tilespmem:s0+$0xFB10]  }
0x11c: {  	v9 =	vld [tilespmem:s0+$0xFAC0]  }
0x11d: {  	v8 =	vld [tilespmem:s0+$0xFAD0]  }
0x11e: {  	v11 =	vld [tilespmem:s0+$0xFA80]  }
0x11f: {  	v10 =	vld [tilespmem:s0+$0xFA90]  }
0x120: {  	v17 =	vld [tilespmem:s0+$0xFA40]  }
0x121: {  	v16 =	vld [tilespmem:s0+$0xFA50]  }
0x122: {  	v19 =	vld [tilespmem:s0+$0xFA00]  }
0x123: {  	v14 =	vimm.f32 $0.0e+00;
	v20 =	vld [tilespmem:s0+$0xFA10]  }
0x124: {  	v15 =	vimm.f32 $0.0e+00;
	v13 =	vimm.f32 $0.0e+00;
	v12 =	vimm.f32 $0.0e+00;
	s9 =	simm.s32 $0x800;
	v18 =	vld [tilespmem:s0+$0xFA20]  }
.LBB2_9:
0x125: {  	p1 =	sne.s32 s9, $0xC000;
	v21 =	vld [tilespmem:s0+$0xFA30]  }
0x126: {  	v22 =	vld [tilespmem:s0+$0xFA60]  }
0x127: {  	v23 =	vld [tilespmem:s0+$0xFA70]  }
0x128: {  	v24 =	vld [tilespmem:s0+$0xFAA0]  }
0x129: {  	v12 =	vadd.f32 v19, v12;
	v15 =	vadd.f32 v20, v15;
	v19 =	vld [tilespmem:s0+$0xFAB0]  }
0x12a: {  	v14 =	vadd.f32 v18, v14;
	v13 =	vadd.f32 v21, v13;
	v18 =	vld [tilespmem:s0+$0xFAE0]  }
0x12b: {  	v12 =	vadd.f32 v17, v12;
	v15 =	vadd.f32 v16, v15;
	v16 =	vld [tilespmem:s0+$0xFAF0]  }
0x12c: {  	v14 =	vadd.f32 v22, v14;
	v13 =	vadd.f32 v23, v13;
	v17 =	vld [tilespmem:s0+$0xFB20]  }
0x12d: {  	v11 =	vadd.f32 v11, v12;
	v10 =	vadd.f32 v10, v15;
	v12 =	vld [tilespmem:s0+$0xFB30]  }
0x12e: {  	v14 =	vadd.f32 v24, v14;
	v13 =	vadd.f32 v19, v13;
	v15 =	vld [tilespmem:s0+$0xFB60]  }
0x12f: {  	v9 =	vadd.f32 v9, v11;
	v8 =	vadd.f32 v8, v10;
	v10 =	vld [tilespmem:s0+$0xFB70]  }
0x130: {  	v11 =	vadd.f32 v18, v14;
	v13 =	vadd.f32 v16, v13;
	v14 =	vld [tilespmem:s0+$0xFBA0]  }
0x131: {  	v6 =	vadd.f32 v6, v9;
	v7 =	vadd.f32 v7, v8;
	v8 =	vld [tilespmem:s0+$0xFBB0]  }
0x132: {  	v9 =	vadd.f32 v17, v11;
	v11 =	vadd.f32 v12, v13;
	v13 =	vld [tilespmem:s0+$0xFBE0]  }
0x133: {  	v4 =	vadd.f32 v4, v6;
	v5 =	vadd.f32 v5, v7;
	v6 =	vld [tilespmem:s0+$0xFBF0];
	s0 =	sshra.s32 s9, $0x2  }
0x134: {  	v9 =	vadd.f32 v15, v9;
	v7 =	vld [tilespmem:s0+$0xFBC0];
	v10 =	vadd.f32 v10, v11  }
0x135: {  	v4 =	vadd.f32 v2, v4;
	v5 =	vadd.f32 v3, v5;
	v11 =	vld [tilespmem:s0+$0xFBD0]  }
0x136: {  	v9 =	vadd.f32 v14, v9;
	v2 =	vld [tilespmem:s0+$0xFB80];
	v8 =	vadd.f32 v8, v10  }
0x137: {  	v12 =	vadd.f32 v0, v4;
	v15 =	vadd.f32 v1, v5;
	v3 =	vld [tilespmem:s0+$0xFB90]  }
0x138: {  	v14 =	vadd.f32 v13, v9;
	v4 =	vld [tilespmem:s0+$0xFB40];
	v13 =	vadd.f32 v6, v8  }
0x139: {  	v5 =	vld [tilespmem:s0+$0xFB50];
	v0 =	vmov v7  }
0x13a: {  	v6 =	vld [tilespmem:s0+$0xFB00];
	v1 =	vmov v11  }
0x13b: {  	v7 =	vld [tilespmem:s0+$0xFB10]  }
0x13c: {  	v9 =	vld [tilespmem:s0+$0xFAC0]  }
0x13d: {  	v8 =	vld [tilespmem:s0+$0xFAD0]  }
0x13e: {  	v11 =	vld [tilespmem:s0+$0xFA80]  }
0x13f: {  	v10 =	vld [tilespmem:s0+$0xFA90]  }
.Ltmp5:
0x140: {  	v17 =	vld [tilespmem:s0+$0xFA40];
	(pc) =	sbr.rel @p1 .LBB2_9-.Ltmp5, $4  }
0x141: {  	v16 =	vld [tilespmem:s0+$0xFA50]  }
0x142: {  	v19 =	vld [tilespmem:s0+$0xFA00]  }
0x143: {  	v20 =	vld [tilespmem:s0+$0xFA10]  }
0x144: {  	s9 =	sadd.s32 $0x800, s9;
	v18 =	vld [tilespmem:s0+$0xFA20]  }
0x145: {  	v21 =	vld [tilespmem:s0+$0xFA30]  }
0x146: {  	v22 =	vld [tilespmem:s0+$0xFA60]  }
0x147: {  	v23 =	vld [tilespmem:s0+$0xFA70];
	v12 =	vadd.f32 v19, v12  }
0x148: {  	v43 =	vld [tilespmem:s0+$0xFAA0];
	v15 =	vadd.f32 v20, v15  }
0x149: {  	v44 =	vld [tilespmem:s0+$0xFAB0];
	v14 =	vadd.f32 v18, v14;
	v12 =	vadd.f32 v17, v12  }
0x14a: {  	v45 =	vld [tilespmem:s0+$0xFAE0];
	v13 =	vadd.f32 v21, v13;
	v15 =	vadd.f32 v16, v15  }
0x14b: {  	v46 =	vld [tilespmem:s0+$0xFAF0];
	v14 =	vadd.f32 v22, v14;
	v11 =	vadd.f32 v11, v12  }
0x14c: {  	v48 =	vld [tilespmem:s0+$0xFB20];
	v47 =	vadd.f32 v23, v13;
	v10 =	vadd.f32 v10, v15  }
0x14d: {  	v49 =	vld [tilespmem:s0+$0xFB30];
	v14 =	vadd.f32 v43, v14;
	v9 =	vadd.f32 v9, v11  }
0x14e: {  	v51 =	vld [tilespmem:s0+$0xFB60];
	v50 =	vadd.f32 v44, v47;
	v8 =	vadd.f32 v8, v10  }
0x14f: {  	v52 =	vld [tilespmem:s0+$0xFB70];
	v14 =	vadd.f32 v45, v14;
	v6 =	vadd.f32 v6, v9  }
0x150: {  	v54 =	vld [tilespmem:s0+$0xFBA0];
	v53 =	vadd.f32 v46, v50;
	v7 =	vadd.f32 v7, v8  }
0x151: {  	v55 =	vld [tilespmem:s0+$0xFBB0];
	v13 =	vadd.f32 v48, v14;
	v4 =	vadd.f32 v4, v6  }
0x152: {  	v57 =	vld [tilespmem:s0+$0xFBE0];
	v56 =	vadd.f32 v49, v53;
	v5 =	vadd.f32 v5, v7  }
0x153: {  	v58 =	vld [tilespmem:s0+$0xFBF0];
	v12 =	vadd.f32 v51, v13;
	v2 =	vadd.f32 v2, v4  }
0x154: {  	v59 =	vadd.f32 v52, v56;
	v3 =	vadd.f32 v3, v5  }
0x155: {  	v60 =	vadd.f32 v54, v12;
	v0 =	vadd.f32 v0, v2  }
.Ltmp6:
0x156: {  	v61 =	vadd.f32 v55, v59;
	v1 =	vadd.f32 v1, v3;
	(pc) =	sbr.rel @p0 .LBB2_12-.Ltmp6, $4  }
0x157: {  	v62 =	vadd.f32 v57, v60;
	[tilespmem:s1+$0x12CC0] =	vst v0  }
0x158: {  	v63 =	vadd.f32 v58, v61;
	[tilespmem:s1+$0x12CD0] =	vst v1  }
0x159: {  	[tilespmem:s1+$0x12CE0] =	vst v62  }
0x15a: {  	[tilespmem:s1+$0x12CF0] =	vst v63  }
0x15b: {  	s0 =	smul.u32 $0xC80, s31;
	_ =	sdelay $0x1  }
.Ltmp7:
0x15c: {  	s0 =	sshra.s32 s0, $0x2;
	(pc) =	sbr.rel .LBB2_2-.Ltmp7, $4  }
0x15d: {  	s1 =	sadd.s32 $0x578, s0  }
0x15e: {  	[tilespmem:s21], [sflag:$0x4] =	stream.indirect.gather [hbm4b:s3+s8], $0x40, s1, s8, $0xb8;
	[tilespmem:$0x14C00] =	vst v63  }
0x15f: {  	s31 =	sadd.s32 $0x1, s31;
	s0 =	sadd.s32 $0x5F8, s0  }
0x160: {  	[tilespmem:s23], [sflag:$0x4] =	stream.indirect.gather [hbm4b:s3+s10], $0x40, s0, s10, $0xb8;
	[tilespmem:$0x14C00] =	vst v63  }
.LBB2_13:
0x161: {  	_ =	sfence.sel $0x180000  }
0x162: {  	[bflag:$0x0] =	sbarrier.arrive $0xFFFF  }
0x163: {  	_ =	strace $0x90000047  }
0x164: {  	s0 =	stileid.u32;
	[bflag:$0x2] =	sbarrier.arrive $0xFFFF  }
0x165: {  	p0 =	sne.s32 s0, $0x0;
	s0 =	rddreg [dreg:$0x1]  }
0x166: {  	s0 =	sadd.s32 @!p0 $0x100000, s0  }
0x167: {  	[sflag:s0] =	ssyncadd.tile.s32 @!p0 $0x1;
	_ =	shalt  }
.Lfunc_end2:
_tile_overlayer_lowered:
.L_overlay_start_2:
0x168: {  	(tag) =	ssettag $0x2  }
0x169: {  	s0 =	rddreg [dreg:$0x0];
	s2 =	stileid.u32  }
0x16a: {  	s1 =	rddreg [dreg:$0x1];
	p0 =	sne.s32 s2, $0x0  }
0x16b: {  	s3 =	rddreg [dreg:$0x2];
	[bflag:$0x3] =	sbarrier.arrive $0xFFFF;
	s2 =	simm.s32 @!p0 $0x1C05  }
0x16c: {  	[timem:s3], [sflag:s2] =	dma.local @!p0 [hbm:s0], s1  }
0x16d: {  	s0 =	simm.s32 @!p0 $0x5  }
0x16e: {  	_ =	swait.ge @!p0 [sflag:s0], s1  }
0x16f: {  	s1 =	ssub.s32 @!p0 $0x0, s1;
	[sflag:s0] =	ssyncset.done @!p0 $0x0  }
0x170: {  	[sflag:s0] =	ssyncadd.s32 @!p0 s1  }
0x171: {  	[bflag:$0x3] =	sbarrier.arrive $0xFFFF  }
0x172: {  	_ =	shalt  }

</sc_bundles>
